<compile_context>
chip_gen: v7x
topology: tpu7x:2x2x1
jax: 0.10.2.dev20260603
libtpu: 0.0.44.dev20260713+nightly
codegen_flags: <defaults>
</compile_context>

<pallas_src>
import functools

import jax
import jax.numpy as jnp
from jax import lax
from jax.experimental import pallas as pl
from jax.experimental.pallas import tpu as pltpu
from jax.experimental.pallas import tpu_sc as plsc

K = 5
B = 128
N = 32768
LANES = 16
PREFIX = 1024
UNROLL = 8


def _sc_workers():
    try:
        info = plsc.get_sparse_core_info()
        return info.num_cores, info.num_subcores
    except Exception:
        return 2, 16


def _make_sc_kernel(nc, ns):
    nw = nc * ns
    rows_per_w = B // nw
    mesh = plsc.VectorSubcoreMesh(core_axis_name="c", subcore_axis_name="s")

    @functools.partial(
        pl.kernel,
        mesh=mesh,
        compiler_params=pltpu.CompilerParams(needs_layout_passes=False),
        out_type=jax.ShapeDtypeStruct((nw, LANES), jnp.float32),
        scratch_types=[
            pltpu.VMEM((2 * LANES,), jnp.int32),
            pltpu.VMEM((rows_per_w, PREFIX), jnp.float32),
            pltpu.VMEM((N,), jnp.float32),
            pltpu.VMEM((rows_per_w, LANES), jnp.float32),
            pltpu.VMEM((LANES,), jnp.float32),
            [pltpu.SemaphoreType.DMA] * 6,
        ],
    )
    def sc_kernel(outputs_hbm, targets_hbm, out_hbm, t_vmem, pbuf, rbuf,
                  vbuf, res_vmem, sems):
        cid = lax.axis_index("c")
        sid = lax.axis_index("s")
        wid = sid * nc + cid
        r0 = wid * rows_per_w

        tbase = jnp.minimum((r0 // 8) * 8, B - LANES)
        tdesc = pltpu.async_copy(targets_hbm.at[pl.ds(tbase, LANES)],
                                 t_vmem.at[pl.ds(0, LANES)], sems[1])
        pdesc = pltpu.async_copy(
            outputs_hbm.at[pl.ds(r0, rows_per_w), pl.ds(0, PREFIX)], pbuf,
            sems[0])
        tdesc.wait()

        ts = []
        vdescs = []
        for j in range(rows_per_w):
            t = t_vmem[pl.ds(r0 + j - tbase, LANES)][0]
            talign = (t // LANES) * LANES
            ts.append(t)
            vdescs.append(pltpu.async_copy(
                outputs_hbm.at[r0 + j, pl.ds(talign, LANES)], vbuf.at[j],
                sems[2 + j]))

        iota = lax.iota(jnp.int32, LANES)
        zero16 = jnp.zeros((LANES,), jnp.int32)
        one16 = jnp.ones((LANES,), jnp.int32)
        acc = jnp.float32(0.0)
        for j in range(rows_per_w):
            r = r0 + j
            t = ts[j]
            t_vec = jnp.full((LANES,), t, jnp.int32)
            vdescs[j].wait()
            v_vec = plsc.load_gather(
                vbuf, [jnp.full((LANES,), j, jnp.int32),
                       t_vec - (t // LANES) * LANES])
            if j == 0:
                pdesc.wait()

            def p1_body(i, c, j=j, v_vec=v_vec):
                cs = list(c)
                for u in range(UNROLL):
                    x = pbuf[j, pl.ds(i * (LANES * UNROLL) + u * LANES, LANES)]
                    cs[u] = cs[u] + jnp.where(x > v_vec, one16, zero16)
                return tuple(cs)

            cgs = lax.fori_loop(0, PREFIX // (LANES * UNROLL), p1_body,
                                (zero16,) * UNROLL)
            cg = cgs[0]
            for u in range(1, UNROLL):
                cg = cg + cgs[u]
            sgt = jnp.sum(cg)

            def full_scan(v_vec=v_vec, t_vec=t_vec, r=r):
                pltpu.sync_copy(outputs_hbm.at[r], rbuf)

                def e_body(i, c):
                    x = rbuf[pl.ds(i * LANES, LANES)]
                    gidx = iota + i * LANES
                    pred = (x > v_vec) | ((x == v_vec) & (gidx < t_vec))
                    return c + jnp.where(pred, one16, zero16)

                rank = jnp.sum(lax.fori_loop(0, N // LANES, e_body, zero16))
                return jnp.where(rank < K, jnp.float32(1.0), jnp.float32(0.0))

            hit = lax.cond(sgt >= K, lambda: jnp.float32(0.0), full_scan)
            acc = acc + hit

        res_vmem[...] = jnp.where(iota == 0, acc, jnp.float32(0.0))
        pltpu.sync_copy(res_vmem, out_hbm.at[wid])

    return sc_kernel


def kernel(outputs, targets):
    nc, ns = _sc_workers()
    sc_kernel = _make_sc_kernel(nc, ns)
    partial = sc_kernel(outputs, targets.astype(jnp.int32))
    return jnp.sum(partial) * (100.0 / B)

# --- scband reference (transcript-rebuilt; emitter-appended) ---
"""Pipeline reference for scband-top-kbase-44994077393212 (READ-ONLY COPY).

The authoritative reference and input builder live on the scoring server;
editing this copy changes nothing except your own understanding.
"""

import jax, jax.numpy as jnp
import numpy as np

K = 5

def setup_inputs(seed: int = 0) -> dict:
    key = jax.random.key(seed)
    k1, k2 = jax.random.split(key)
    outputs = jax.random.normal(k1, (128, 32768), dtype=jnp.float32)
    targets = jax.random.randint(k2, (128,), 0, 32768, dtype=jnp.int64)
    return {"outputs": outputs, "targets": targets}

def reference(outputs, targets):
    # torch: _, pred = outputs.topk(k, 1, True, True); pred = pred.t()
    _, pred = jax.lax.top_k(outputs, K)  # [B, K] indices, sorted descending
    pred_t = pred.T  # [K, B]
    # correct = pred.eq(targets.view(1,-1).expand_as(pred))
    correct = (pred_t == targets[None, :])  # [K, B] bool
    # correct_k = correct[:k].reshape(-1).float().sum()
    correct_k = jnp.sum(correct[:K].reshape(-1).astype(jnp.float32), keepdims=True)
    batch_size = outputs.shape[0]
    return (correct_k * (100.0 / batch_size))[0]

if __name__ == "__main__":
    import jax
    _d = setup_inputs()
    print(jax.jit(kernel)(*tuple(_d.values())))

</pallas_src>

<mosaic_0001>
#map = affine_map<(d0, d1) -> (0, 0)>
#map1 = affine_map<(d0, d1) -> (0)>
module attributes {stable_mosaic.version = 14 : i64} {
  func.func @sc_kernel(%arg0: i32, %arg1: i32, %arg2: memref<128x32768xf32, #tpu.memory_space<hbm>>, %arg3: memref<128xi32, #tpu.memory_space<hbm>>, %arg4: memref<32x16xf32, #tpu.memory_space<hbm>>, %arg5: memref<32xi32, #tpu.memory_space<vmem>>, %arg6: memref<4x1024xf32, #tpu.memory_space<vmem>>, %arg7: memref<32768xf32, #tpu.memory_space<vmem>>, %arg8: memref<4x16xf32, #tpu.memory_space<vmem>>, %arg9: memref<16xf32, #tpu.memory_space<vmem>>, %arg10: memref<!tpu.dma_semaphore, #tpu.memory_space<semaphore_mem>>, %arg11: memref<!tpu.dma_semaphore, #tpu.memory_space<semaphore_mem>>, %arg12: memref<!tpu.dma_semaphore, #tpu.memory_space<semaphore_mem>>, %arg13: memref<!tpu.dma_semaphore, #tpu.memory_space<semaphore_mem>>, %arg14: memref<!tpu.dma_semaphore, #tpu.memory_space<semaphore_mem>>, %arg15: memref<!tpu.dma_semaphore, #tpu.memory_space<semaphore_mem>>) attributes {dimension_semantics = [#tpu.dimension_semantics<core_parallel>, #tpu.dimension_semantics<subcore_parallel>], iteration_bounds = array<i64: 2, 16>, scalar_prefetch = 0 : i64, scratch_operands = 11 : i64, tpu.core_type = #tpu.core_type<sc_vector_subcore>, window_params = [{transform_indices = #map}, {transform_indices = #map1}, {transform_indices = #map}]} {
    %mul3A = arith.constant 2 : i32
    %mul3A_0 = arith.muli %arg1, %mul3A : i32
    %add3A = arith.addi %mul3A_0, %arg0 : i32
    %mul3A_1 = arith.constant 4 : i32
    %mul3A_2 = arith.muli %add3A, %mul3A_1 : i32
    %jit3A = arith.constant 8 : i32
    %div3A = arith.divsi %mul3A_2, %jit3A : i32
    %sign3A = arith.constant 0 : i32
    %sign3A_3 = arith.cmpi sgt, %mul3A_2, %sign3A : i32
    %sign3A_4 = arith.extui %sign3A_3 : i1 to i32
    %sign3A_5 = arith.constant 0 : i32
    %sign3A_6 = arith.cmpi slt, %mul3A_2, %sign3A_5 : i32
    %sign3A_7 = arith.extui %sign3A_6 : i1 to i32
    %sign3A_8 = arith.subi %sign3A_4, %sign3A_7 : i32
    %sign3A_9 = arith.constant 0 : i32
    %sign3A_10 = arith.cmpi sgt, %jit3A, %sign3A_9 : i32
    %sign3A_11 = arith.extui %sign3A_10 : i1 to i32
    %sign3A_12 = arith.constant 0 : i32
    %sign3A_13 = arith.cmpi slt, %jit3A, %sign3A_12 : i32
    %sign3A_14 = arith.extui %sign3A_13 : i1 to i32
    %sign3A_15 = arith.subi %sign3A_11, %sign3A_14 : i32
    %ne3A = arith.cmpi ne, %sign3A_8, %sign3A_15 : i32
    %rem3A = arith.remsi %mul3A_2, %jit3A : i32
    %ne3A_16 = arith.constant 0 : i32
    %ne3A_17 = arith.cmpi ne, %rem3A, %ne3A_16 : i32
    %and3A = arith.andi %ne3A, %ne3A_17 : i1
    %sub3A = arith.constant 1 : i32
    %sub3A_18 = arith.subi %div3A, %sub3A : i32
    %select_n3A = arith.select %and3A, %sub3A_18, %div3A : i32
    %mul3A_19 = arith.constant 8 : i32
    %mul3A_20 = arith.muli %select_n3A, %mul3A_19 : i32
    %min3A = arith.constant 112 : i32
    %min3A_21 = arith.minsi %mul3A_20, %min3A : i32
    %dma_start3A = arith.constant 0 : i32
    %dma_start3A_22 = tpu.memref_slice %arg5[%dma_start3A] : memref<32xi32, #tpu.memory_space<vmem>> -> memref<16xi32, #tpu.memory_space<vmem>>
    %dma_start3A_23 = tpu.memref_slice %arg3[%min3A_21] : memref<128xi32, #tpu.memory_space<hbm>> -> memref<16xi32, #tpu.memory_space<hbm>>
    %dma_start3A_24 = arith.constant 0 : i32
    %dma_start3A_25 = tpu.memref_slice %arg5[%dma_start3A_24] : memref<32xi32, #tpu.memory_space<vmem>> -> memref<16xi32, #tpu.memory_space<vmem>>
    %dma_start3A_26 = tpu.memref_slice %arg3[%min3A_21] : memref<128xi32, #tpu.memory_space<hbm>> -> memref<16xi32, #tpu.memory_space<hbm>>
    tpu.enqueue_dma source(%dma_start3A_26 : memref<16xi32, #tpu.memory_space<hbm>>) target(%dma_start3A_25 : memref<16xi32, #tpu.memory_space<vmem>>) target_semaphore(%arg11 : memref<!tpu.dma_semaphore, #tpu.memory_space<semaphore_mem>>)
    %dma_start3A_27 = arith.constant 0 : i32
    %dma_start3A_28 = tpu.memref_slice %arg2[%mul3A_2, %dma_start3A_27] : memref<128x32768xf32, #tpu.memory_space<hbm>> -> memref<4x1024xf32, #tpu.memory_space<hbm>>
    %dma_start3A_29 = arith.constant 0 : i32
    %dma_start3A_30 = tpu.memref_slice %arg2[%mul3A_2, %dma_start3A_29] : memref<128x32768xf32, #tpu.memory_space<hbm>> -> memref<4x1024xf32, #tpu.memory_space<hbm>>
    tpu.enqueue_dma source(%dma_start3A_30 : memref<4x1024xf32, #tpu.memory_space<hbm>>) target(%arg6 : memref<4x1024xf32, #tpu.memory_space<vmem>>) target_semaphore(%arg10 : memref<!tpu.dma_semaphore, #tpu.memory_space<semaphore_mem>>)
    %dma_wait3A = arith.constant 0 : i32
    %dma_wait3A_31 = tpu.memref_slice %arg5[%dma_wait3A] : memref<32xi32, #tpu.memory_space<vmem>> -> memref<16xi32, #tpu.memory_space<vmem>>
    %dma_wait3A_32 = tpu.memref_slice %arg3[%min3A_21] : memref<128xi32, #tpu.memory_space<hbm>> -> memref<16xi32, #tpu.memory_space<hbm>>
    %dma_wait3A_33 = arith.constant 0 : i32
    %dma_wait3A_34 = tpu.memref_slice %arg5[%dma_wait3A_33] : memref<32xi32, #tpu.memory_space<vmem>> -> memref<16xi32, #tpu.memory_space<vmem>>
    %dma_wait3A_35 = tpu.memref_slice %arg3[%min3A_21] : memref<128xi32, #tpu.memory_space<hbm>> -> memref<16xi32, #tpu.memory_space<hbm>>
    tpu.wait_dma2 semaphore(%arg11 : memref<!tpu.dma_semaphore, #tpu.memory_space<semaphore_mem>>) src(%dma_wait3A_35 : memref<16xi32, #tpu.memory_space<hbm>>) dst(%dma_wait3A_34 : memref<16xi32, #tpu.memory_space<vmem>>)
    %add3A_36 = arith.constant 0 : i32
    %add3A_37 = arith.addi %mul3A_2, %add3A_36 : i32
    %sub3A_38 = arith.subi %add3A_37, %min3A_21 : i32
    %get3A = arith.index_cast %sub3A_38 : i32 to index
    %get3A_39 = tpu.vector_load %arg5[%get3A] {strides = array<i32>} : memref<32xi32, #tpu.memory_space<vmem>>, vector<16xi32>,
    %slice3A = vector.extract_strided_slice %get3A_39 {offsets = [0], sizes = [1], strides = [1]} : vector<16xi32> to vector<1xi32>
    %squeeze3A = vector.extract %slice3A[0] : i32 from vector<1xi32>
    %jit3A_40 = arith.constant 16 : i32
    %div3A_41 = arith.divsi %squeeze3A, %jit3A_40 : i32
    %sign3A_42 = arith.constant 0 : i32
    %sign3A_43 = arith.cmpi sgt, %squeeze3A, %sign3A_42 : i32
    %sign3A_44 = arith.extui %sign3A_43 : i1 to i32
    %sign3A_45 = arith.constant 0 : i32
    %sign3A_46 = arith.cmpi slt, %squeeze3A, %sign3A_45 : i32
    %sign3A_47 = arith.extui %sign3A_46 : i1 to i32
    %sign3A_48 = arith.subi %sign3A_44, %sign3A_47 : i32
    %sign3A_49 = arith.constant 0 : i32
    %sign3A_50 = arith.cmpi sgt, %jit3A_40, %sign3A_49 : i32
    %sign3A_51 = arith.extui %sign3A_50 : i1 to i32
    %sign3A_52 = arith.constant 0 : i32
    %sign3A_53 = arith.cmpi slt, %jit3A_40, %sign3A_52 : i32
    %sign3A_54 = arith.extui %sign3A_53 : i1 to i32
    %sign3A_55 = arith.subi %sign3A_51, %sign3A_54 : i32
    %ne3A_56 = arith.cmpi ne, %sign3A_48, %sign3A_55 : i32
    %rem3A_57 = arith.remsi %squeeze3A, %jit3A_40 : i32
    %ne3A_58 = arith.constant 0 : i32
    %ne3A_59 = arith.cmpi ne, %rem3A_57, %ne3A_58 : i32
    %and3A_60 = arith.andi %ne3A_56, %ne3A_59 : i1
    %sub3A_61 = arith.constant 1 : i32
    %sub3A_62 = arith.subi %div3A_41, %sub3A_61 : i32
    %select_n3A_63 = arith.select %and3A_60, %sub3A_62, %div3A_41 : i32
    %mul3A_64 = arith.constant 16 : i32
    %mul3A_65 = arith.muli %select_n3A_63, %mul3A_64 : i32
    %add3A_66 = arith.constant 0 : i32
    %add3A_67 = arith.addi %mul3A_2, %add3A_66 : i32
    %dma_start3A_68 = arith.constant 0 : i32
    %dma_start3A_69 = arith.constant 0 : i32
    %dma_start3A_70 = tpu.memref_slice %arg8[%dma_start3A_68, %dma_start3A_69] : memref<4x16xf32, #tpu.memory_space<vmem>> -> memref<1x16xf32, #tpu.memory_space<vmem>>
    %dma_start3A_71 = tpu.memref_squeeze %dma_start3A_70 : memref<1x16xf32, #tpu.memory_space<vmem>> -> memref<16xf32, #tpu.memory_space<vmem>>
    %dma_start3A_72 = tpu.memref_slice %arg2[%add3A_67, %mul3A_65] : memref<128x32768xf32, #tpu.memory_space<hbm>> -> memref<1x16xf32, #tpu.memory_space<hbm>>
    %dma_start3A_73 = tpu.memref_squeeze %dma_start3A_72 : memref<1x16xf32, #tpu.memory_space<hbm>> -> memref<16xf32, #tpu.memory_space<hbm>>
    %dma_start3A_74 = arith.constant 0 : i32
    %dma_start3A_75 = tpu.memref_slice %arg8[%dma_start3A_68, %dma_start3A_74] : memref<4x16xf32, #tpu.memory_space<vmem>> -> memref<1x16xf32, #tpu.memory_space<vmem>>
    %dma_start3A_76 = tpu.memref_squeeze %dma_start3A_75 : memref<1x16xf32, #tpu.memory_space<vmem>> -> memref<16xf32, #tpu.memory_space<vmem>>
    %dma_start3A_77 = tpu.memref_slice %arg2[%add3A_67, %mul3A_65] : memref<128x32768xf32, #tpu.memory_space<hbm>> -> memref<1x16xf32, #tpu.memory_space<hbm>>
    %dma_start3A_78 = tpu.memref_squeeze %dma_start3A_77 : memref<1x16xf32, #tpu.memory_space<hbm>> -> memref<16xf32, #tpu.memory_space<hbm>>
    tpu.enqueue_dma source(%dma_start3A_78 : memref<16xf32, #tpu.memory_space<hbm>>) target(%dma_start3A_76 : memref<16xf32, #tpu.memory_space<vmem>>) target_semaphore(%arg12 : memref<!tpu.dma_semaphore, #tpu.memory_space<semaphore_mem>>)
    %add3A_79 = arith.constant 1 : i32
    %add3A_80 = arith.addi %mul3A_2, %add3A_79 : i32
    %sub3A_81 = arith.subi %add3A_80, %min3A_21 : i32
    %get3A_82 = arith.index_cast %sub3A_81 : i32 to index
    %get3A_83 = tpu.vector_load %arg5[%get3A_82] {strides = array<i32>} : memref<32xi32, #tpu.memory_space<vmem>>, vector<16xi32>,
    %slice3A_84 = vector.extract_strided_slice %get3A_83 {offsets = [0], sizes = [1], strides = [1]} : vector<16xi32> to vector<1xi32>
    %squeeze3A_85 = vector.extract %slice3A_84[0] : i32 from vector<1xi32>
    %jit3A_86 = arith.constant 16 : i32
    %div3A_87 = arith.divsi %squeeze3A_85, %jit3A_86 : i32
    %sign3A_88 = arith.constant 0 : i32
    %sign3A_89 = arith.cmpi sgt, %squeeze3A_85, %sign3A_88 : i32
    %sign3A_90 = arith.extui %sign3A_89 : i1 to i32
    %sign3A_91 = arith.constant 0 : i32
    %sign3A_92 = arith.cmpi slt, %squeeze3A_85, %sign3A_91 : i32
    %sign3A_93 = arith.extui %sign3A_92 : i1 to i32
    %sign3A_94 = arith.subi %sign3A_90, %sign3A_93 : i32
    %sign3A_95 = arith.constant 0 : i32
    %sign3A_96 = arith.cmpi sgt, %jit3A_86, %sign3A_95 : i32
    %sign3A_97 = arith.extui %sign3A_96 : i1 to i32
    %sign3A_98 = arith.constant 0 : i32
    %sign3A_99 = arith.cmpi slt, %jit3A_86, %sign3A_98 : i32
    %sign3A_100 = arith.extui %sign3A_99 : i1 to i32
    %sign3A_101 = arith.subi %sign3A_97, %sign3A_100 : i32
    %ne3A_102 = arith.cmpi ne, %sign3A_94, %sign3A_101 : i32
    %rem3A_103 = arith.remsi %squeeze3A_85, %jit3A_86 : i32
    %ne3A_104 = arith.constant 0 : i32
    %ne3A_105 = arith.cmpi ne, %rem3A_103, %ne3A_104 : i32
    %and3A_106 = arith.andi %ne3A_102, %ne3A_105 : i1
    %sub3A_107 = arith.constant 1 : i32
    %sub3A_108 = arith.subi %div3A_87, %sub3A_107 : i32
    %select_n3A_109 = arith.select %and3A_106, %sub3A_108, %div3A_87 : i32
    %mul3A_110 = arith.constant 16 : i32
    %mul3A_111 = arith.muli %select_n3A_109, %mul3A_110 : i32
    %add3A_112 = arith.constant 1 : i32
    %add3A_113 = arith.addi %mul3A_2, %add3A_112 : i32
    %dma_start3A_114 = arith.constant 1 : i32
    %dma_start3A_115 = arith.constant 0 : i32
    %dma_start3A_116 = tpu.memref_slice %arg8[%dma_start3A_114, %dma_start3A_115] : memref<4x16xf32, #tpu.memory_space<vmem>> -> memref<1x16xf32, #tpu.memory_space<vmem>>
    %dma_start3A_117 = tpu.memref_squeeze %dma_start3A_116 : memref<1x16xf32, #tpu.memory_space<vmem>> -> memref<16xf32, #tpu.memory_space<vmem>>
    %dma_start3A_118 = tpu.memref_slice %arg2[%add3A_113, %mul3A_111] : memref<128x32768xf32, #tpu.memory_space<hbm>> -> memref<1x16xf32, #tpu.memory_space<hbm>>
    %dma_start3A_119 = tpu.memref_squeeze %dma_start3A_118 : memref<1x16xf32, #tpu.memory_space<hbm>> -> memref<16xf32, #tpu.memory_space<hbm>>
    %dma_start3A_120 = arith.constant 0 : i32
    %dma_start3A_121 = tpu.memref_slice %arg8[%dma_start3A_114, %dma_start3A_120] : memref<4x16xf32, #tpu.memory_space<vmem>> -> memref<1x16xf32, #tpu.memory_space<vmem>>
    %dma_start3A_122 = tpu.memref_squeeze %dma_start3A_121 : memref<1x16xf32, #tpu.memory_space<vmem>> -> memref<16xf32, #tpu.memory_space<vmem>>
    %dma_start3A_123 = tpu.memref_slice %arg2[%add3A_113, %mul3A_111] : memref<128x32768xf32, #tpu.memory_space<hbm>> -> memref<1x16xf32, #tpu.memory_space<hbm>>
    %dma_start3A_124 = tpu.memref_squeeze %dma_start3A_123 : memref<1x16xf32, #tpu.memory_space<hbm>> -> memref<16xf32, #tpu.memory_space<hbm>>
    tpu.enqueue_dma source(%dma_start3A_124 : memref<16xf32, #tpu.memory_space<hbm>>) target(%dma_start3A_122 : memref<16xf32, #tpu.memory_space<vmem>>) target_semaphore(%arg13 : memref<!tpu.dma_semaphore, #tpu.memory_space<semaphore_mem>>)
    %add3A_125 = arith.constant 2 : i32
    %add3A_126 = arith.addi %mul3A_2, %add3A_125 : i32
    %sub3A_127 = arith.subi %add3A_126, %min3A_21 : i32
    %get3A_128 = arith.index_cast %sub3A_127 : i32 to index
    %get3A_129 = tpu.vector_load %arg5[%get3A_128] {strides = array<i32>} : memref<32xi32, #tpu.memory_space<vmem>>, vector<16xi32>,
    %slice3A_130 = vector.extract_strided_slice %get3A_129 {offsets = [0], sizes = [1], strides = [1]} : vector<16xi32> to vector<1xi32>
    %squeeze3A_131 = vector.extract %slice3A_130[0] : i32 from vector<1xi32>
    %jit3A_132 = arith.constant 16 : i32
    %div3A_133 = arith.divsi %squeeze3A_131, %jit3A_132 : i32
    %sign3A_134 = arith.constant 0 : i32
    %sign3A_135 = arith.cmpi sgt, %squeeze3A_131, %sign3A_134 : i32
    %sign3A_136 = arith.extui %sign3A_135 : i1 to i32
    %sign3A_137 = arith.constant 0 : i32
    %sign3A_138 = arith.cmpi slt, %squeeze3A_131, %sign3A_137 : i32
    %sign3A_139 = arith.extui %sign3A_138 : i1 to i32
    %sign3A_140 = arith.subi %sign3A_136, %sign3A_139 : i32
    %sign3A_141 = arith.constant 0 : i32
    %sign3A_142 = arith.cmpi sgt, %jit3A_132, %sign3A_141 : i32
    %sign3A_143 = arith.extui %sign3A_142 : i1 to i32
    %sign3A_144 = arith.constant 0 : i32
    %sign3A_145 = arith.cmpi slt, %jit3A_132, %sign3A_144 : i32
    %sign3A_146 = arith.extui %sign3A_145 : i1 to i32
    %sign3A_147 = arith.subi %sign3A_143, %sign3A_146 : i32
    %ne3A_148 = arith.cmpi ne, %sign3A_140, %sign3A_147 : i32
    %rem3A_149 = arith.remsi %squeeze3A_131, %jit3A_132 : i32
    %ne3A_150 = arith.constant 0 : i32
    %ne3A_151 = arith.cmpi ne, %rem3A_149, %ne3A_150 : i32
    %and3A_152 = arith.andi %ne3A_148, %ne3A_151 : i1
    %sub3A_153 = arith.constant 1 : i32
    %sub3A_154 = arith.subi %div3A_133, %sub3A_153 : i32
    %select_n3A_155 = arith.select %and3A_152, %sub3A_154, %div3A_133 : i32
    %mul3A_156 = arith.constant 16 : i32
    %mul3A_157 = arith.muli %select_n3A_155, %mul3A_156 : i32
    %add3A_158 = arith.constant 2 : i32
    %add3A_159 = arith.addi %mul3A_2, %add3A_158 : i32
    %dma_start3A_160 = arith.constant 2 : i32
    %dma_start3A_161 = arith.constant 0 : i32
    %dma_start3A_162 = tpu.memref_slice %arg8[%dma_start3A_160, %dma_start3A_161] : memref<4x16xf32, #tpu.memory_space<vmem>> -> memref<1x16xf32, #tpu.memory_space<vmem>>
    %dma_start3A_163 = tpu.memref_squeeze %dma_start3A_162 : memref<1x16xf32, #tpu.memory_space<vmem>> -> memref<16xf32, #tpu.memory_space<vmem>>
    %dma_start3A_164 = tpu.memref_slice %arg2[%add3A_159, %mul3A_157] : memref<128x32768xf32, #tpu.memory_space<hbm>> -> memref<1x16xf32, #tpu.memory_space<hbm>>
    %dma_start3A_165 = tpu.memref_squeeze %dma_start3A_164 : memref<1x16xf32, #tpu.memory_space<hbm>> -> memref<16xf32, #tpu.memory_space<hbm>>
    %dma_start3A_166 = arith.constant 0 : i32
    %dma_start3A_167 = tpu.memref_slice %arg8[%dma_start3A_160, %dma_start3A_166] : memref<4x16xf32, #tpu.memory_space<vmem>> -> memref<1x16xf32, #tpu.memory_space<vmem>>
    %dma_start3A_168 = tpu.memref_squeeze %dma_start3A_167 : memref<1x16xf32, #tpu.memory_space<vmem>> -> memref<16xf32, #tpu.memory_space<vmem>>
    %dma_start3A_169 = tpu.memref_slice %arg2[%add3A_159, %mul3A_157] : memref<128x32768xf32, #tpu.memory_space<hbm>> -> memref<1x16xf32, #tpu.memory_space<hbm>>
    %dma_start3A_170 = tpu.memref_squeeze %dma_start3A_169 : memref<1x16xf32, #tpu.memory_space<hbm>> -> memref<16xf32, #tpu.memory_space<hbm>>
    tpu.enqueue_dma source(%dma_start3A_170 : memref<16xf32, #tpu.memory_space<hbm>>) target(%dma_start3A_168 : memref<16xf32, #tpu.memory_space<vmem>>) target_semaphore(%arg14 : memref<!tpu.dma_semaphore, #tpu.memory_space<semaphore_mem>>)
    %add3A_171 = arith.constant 3 : i32
    %add3A_172 = arith.addi %mul3A_2, %add3A_171 : i32
    %sub3A_173 = arith.subi %add3A_172, %min3A_21 : i32
    %get3A_174 = arith.index_cast %sub3A_173 : i32 to index
    %get3A_175 = tpu.vector_load %arg5[%get3A_174] {strides = array<i32>} : memref<32xi32, #tpu.memory_space<vmem>>, vector<16xi32>,
    %slice3A_176 = vector.extract_strided_slice %get3A_175 {offsets = [0], sizes = [1], strides = [1]} : vector<16xi32> to vector<1xi32>
    %squeeze3A_177 = vector.extract %slice3A_176[0] : i32 from vector<1xi32>
    %jit3A_178 = arith.constant 16 : i32
    %div3A_179 = arith.divsi %squeeze3A_177, %jit3A_178 : i32
    %sign3A_180 = arith.constant 0 : i32
    %sign3A_181 = arith.cmpi sgt, %squeeze3A_177, %sign3A_180 : i32
    %sign3A_182 = arith.extui %sign3A_181 : i1 to i32
    %sign3A_183 = arith.constant 0 : i32
    %sign3A_184 = arith.cmpi slt, %squeeze3A_177, %sign3A_183 : i32
    %sign3A_185 = arith.extui %sign3A_184 : i1 to i32
    %sign3A_186 = arith.subi %sign3A_182, %sign3A_185 : i32
    %sign3A_187 = arith.constant 0 : i32
    %sign3A_188 = arith.cmpi sgt, %jit3A_178, %sign3A_187 : i32
    %sign3A_189 = arith.extui %sign3A_188 : i1 to i32
    %sign3A_190 = arith.constant 0 : i32
    %sign3A_191 = arith.cmpi slt, %jit3A_178, %sign3A_190 : i32
    %sign3A_192 = arith.extui %sign3A_191 : i1 to i32
    %sign3A_193 = arith.subi %sign3A_189, %sign3A_192 : i32
    %ne3A_194 = arith.cmpi ne, %sign3A_186, %sign3A_193 : i32
    %rem3A_195 = arith.remsi %squeeze3A_177, %jit3A_178 : i32
    %ne3A_196 = arith.constant 0 : i32
    %ne3A_197 = arith.cmpi ne, %rem3A_195, %ne3A_196 : i32
    %and3A_198 = arith.andi %ne3A_194, %ne3A_197 : i1
    %sub3A_199 = arith.constant 1 : i32
    %sub3A_200 = arith.subi %div3A_179, %sub3A_199 : i32
    %select_n3A_201 = arith.select %and3A_198, %sub3A_200, %div3A_179 : i32
    %mul3A_202 = arith.constant 16 : i32
    %mul3A_203 = arith.muli %select_n3A_201, %mul3A_202 : i32
    %add3A_204 = arith.constant 3 : i32
    %add3A_205 = arith.addi %mul3A_2, %add3A_204 : i32
    %dma_start3A_206 = arith.constant 3 : i32
    %dma_start3A_207 = arith.constant 0 : i32
    %dma_start3A_208 = tpu.memref_slice %arg8[%dma_start3A_206, %dma_start3A_207] : memref<4x16xf32, #tpu.memory_space<vmem>> -> memref<1x16xf32, #tpu.memory_space<vmem>>
    %dma_start3A_209 = tpu.memref_squeeze %dma_start3A_208 : memref<1x16xf32, #tpu.memory_space<vmem>> -> memref<16xf32, #tpu.memory_space<vmem>>
    %dma_start3A_210 = tpu.memref_slice %arg2[%add3A_205, %mul3A_203] : memref<128x32768xf32, #tpu.memory_space<hbm>> -> memref<1x16xf32, #tpu.memory_space<hbm>>
    %dma_start3A_211 = tpu.memref_squeeze %dma_start3A_210 : memref<1x16xf32, #tpu.memory_space<hbm>> -> memref<16xf32, #tpu.memory_space<hbm>>
    %dma_start3A_212 = arith.constant 0 : i32
    %dma_start3A_213 = tpu.memref_slice %arg8[%dma_start3A_206, %dma_start3A_212] : memref<4x16xf32, #tpu.memory_space<vmem>> -> memref<1x16xf32, #tpu.memory_space<vmem>>
    %dma_start3A_214 = tpu.memref_squeeze %dma_start3A_213 : memref<1x16xf32, #tpu.memory_space<vmem>> -> memref<16xf32, #tpu.memory_space<vmem>>
    %dma_start3A_215 = tpu.memref_slice %arg2[%add3A_205, %mul3A_203] : memref<128x32768xf32, #tpu.memory_space<hbm>> -> memref<1x16xf32, #tpu.memory_space<hbm>>
    %dma_start3A_216 = tpu.memref_squeeze %dma_start3A_215 : memref<1x16xf32, #tpu.memory_space<hbm>> -> memref<16xf32, #tpu.memory_space<hbm>>
    tpu.enqueue_dma source(%dma_start3A_216 : memref<16xf32, #tpu.memory_space<hbm>>) target(%dma_start3A_214 : memref<16xf32, #tpu.memory_space<vmem>>) target_semaphore(%arg15 : memref<!tpu.dma_semaphore, #tpu.memory_space<semaphore_mem>>)
    %iota3A = tpu.iota {dimensions = array<i32: 0>} : vector<16xi32>
    %broadcast_in_dim3A = arith.constant 0 : i32
    %broadcast_in_dim3A_217 = vector.broadcast %broadcast_in_dim3A : i32 to vector<16xi32>
    %broadcast_in_dim3A_218 = arith.constant 1 : i32
    %broadcast_in_dim3A_219 = vector.broadcast %broadcast_in_dim3A_218 : i32 to vector<16xi32>
    %add3A_220 = arith.constant 0 : i32
    %add3A_221 = arith.addi %mul3A_2, %add3A_220 : i32
    %broadcast_in_dim3A_222 = vector.broadcast %squeeze3A : i32 to vector<16xi32>
    %dma_wait3A_223 = arith.constant 0 : i32
    %dma_wait3A_224 = arith.constant 0 : i32
    %dma_wait3A_225 = tpu.memref_slice %arg8[%dma_wait3A_223, %dma_wait3A_224] : memref<4x16xf32, #tpu.memory_space<vmem>> -> memref<1x16xf32, #tpu.memory_space<vmem>>
    %dma_wait3A_226 = tpu.memref_squeeze %dma_wait3A_225 : memref<1x16xf32, #tpu.memory_space<vmem>> -> memref<16xf32, #tpu.memory_space<vmem>>
    %dma_wait3A_227 = tpu.memref_slice %arg2[%add3A_67, %mul3A_65] : memref<128x32768xf32, #tpu.memory_space<hbm>> -> memref<1x16xf32, #tpu.memory_space<hbm>>
    %dma_wait3A_228 = tpu.memref_squeeze %dma_wait3A_227 : memref<1x16xf32, #tpu.memory_space<hbm>> -> memref<16xf32, #tpu.memory_space<hbm>>
    %dma_wait3A_229 = arith.constant 0 : i32
    %dma_wait3A_230 = tpu.memref_slice %arg8[%dma_wait3A_223, %dma_wait3A_229] : memref<4x16xf32, #tpu.memory_space<vmem>> -> memref<1x16xf32, #tpu.memory_space<vmem>>
    %dma_wait3A_231 = tpu.memref_squeeze %dma_wait3A_230 : memref<1x16xf32, #tpu.memory_space<vmem>> -> memref<16xf32, #tpu.memory_space<vmem>>
    %dma_wait3A_232 = tpu.memref_slice %arg2[%add3A_67, %mul3A_65] : memref<128x32768xf32, #tpu.memory_space<hbm>> -> memref<1x16xf32, #tpu.memory_space<hbm>>
    %dma_wait3A_233 = tpu.memref_squeeze %dma_wait3A_232 : memref<1x16xf32, #tpu.memory_space<hbm>> -> memref<16xf32, #tpu.memory_space<hbm>>
    tpu.wait_dma2 semaphore(%arg12 : memref<!tpu.dma_semaphore, #tpu.memory_space<semaphore_mem>>) src(%dma_wait3A_233 : memref<16xf32, #tpu.memory_space<hbm>>) dst(%dma_wait3A_231 : memref<16xf32, #tpu.memory_space<vmem>>)
    %broadcast_in_dim3A_234 = arith.constant 0 : i32
    %broadcast_in_dim3A_235 = vector.broadcast %broadcast_in_dim3A_234 : i32 to vector<16xi32>
    %jit3A_236 = arith.constant 16 : i32
    %div3A_237 = arith.divsi %squeeze3A, %jit3A_236 : i32
    %sign3A_238 = arith.constant 0 : i32
    %sign3A_239 = arith.cmpi sgt, %squeeze3A, %sign3A_238 : i32
    %sign3A_240 = arith.extui %sign3A_239 : i1 to i32
    %sign3A_241 = arith.constant 0 : i32
    %sign3A_242 = arith.cmpi slt, %squeeze3A, %sign3A_241 : i32
    %sign3A_243 = arith.extui %sign3A_242 : i1 to i32
    %sign3A_244 = arith.subi %sign3A_240, %sign3A_243 : i32
    %sign3A_245 = arith.constant 0 : i32
    %sign3A_246 = arith.cmpi sgt, %jit3A_236, %sign3A_245 : i32
    %sign3A_247 = arith.extui %sign3A_246 : i1 to i32
    %sign3A_248 = arith.constant 0 : i32
    %sign3A_249 = arith.cmpi slt, %jit3A_236, %sign3A_248 : i32
    %sign3A_250 = arith.extui %sign3A_249 : i1 to i32
    %sign3A_251 = arith.subi %sign3A_247, %sign3A_250 : i32
    %ne3A_252 = arith.cmpi ne, %sign3A_244, %sign3A_251 : i32
    %rem3A_253 = arith.remsi %squeeze3A, %jit3A_236 : i32
    %ne3A_254 = arith.constant 0 : i32
    %ne3A_255 = arith.cmpi ne, %rem3A_253, %ne3A_254 : i32
    %and3A_256 = arith.andi %ne3A_252, %ne3A_255 : i1
    %sub3A_257 = arith.constant 1 : i32
    %sub3A_258 = arith.subi %div3A_237, %sub3A_257 : i32
    %select_n3A_259 = arith.select %and3A_256, %sub3A_258, %div3A_237 : i32
    %mul3A_260 = arith.constant 16 : i32
    %mul3A_261 = arith.muli %select_n3A_259, %mul3A_260 : i32
    %sub3A_262 = vector.broadcast %mul3A_261 : i32 to vector<16xi32>
    %sub3A_263 = arith.subi %broadcast_in_dim3A_222, %sub3A_262 : vector<16xi32>
    %gather3A = tpu.vector_load_idx %arg8[%broadcast_in_dim3A_235, %sub3A_263] : memref<4x16xf32, #tpu.memory_space<vmem>>[vector<16xi32>, vector<16xi32>], vector<16xf32>,
    %dma_wait3A_264 = arith.constant 0 : i32
    %dma_wait3A_265 = tpu.memref_slice %arg2[%mul3A_2, %dma_wait3A_264] : memref<128x32768xf32, #tpu.memory_space<hbm>> -> memref<4x1024xf32, #tpu.memory_space<hbm>>
    %dma_wait3A_266 = arith.constant 0 : i32
    %dma_wait3A_267 = tpu.memref_slice %arg2[%mul3A_2, %dma_wait3A_266] : memref<128x32768xf32, #tpu.memory_space<hbm>> -> memref<4x1024xf32, #tpu.memory_space<hbm>>
    tpu.wait_dma2 semaphore(%arg10 : memref<!tpu.dma_semaphore, #tpu.memory_space<semaphore_mem>>) src(%dma_wait3A_267 : memref<4x1024xf32, #tpu.memory_space<hbm>>) dst(%arg6 : memref<4x1024xf32, #tpu.memory_space<vmem>>)
    %scan3A = arith.constant 0 : i32
    %scan3A_268 = arith.constant 8 : i32
    %scan3A_269 = arith.addi %scan3A, %scan3A_268 : i32
    %scan3A_270 = arith.constant 1 : i32
    %scan3A_271:8 = scf.for %scan3A_502 = %scan3A to %scan3A_269 step %scan3A_270 iter_args(%scan3A_503 = %broadcast_in_dim3A_217, %scan3A_504 = %broadcast_in_dim3A_217, %scan3A_505 = %broadcast_in_dim3A_217, %scan3A_506 = %broadcast_in_dim3A_217, %scan3A_507 = %broadcast_in_dim3A_217, %scan3A_508 = %broadcast_in_dim3A_217, %scan3A_509 = %broadcast_in_dim3A_217, %scan3A_510 = %broadcast_in_dim3A_217) -> (vector<16xi32>, vector<16xi32>, vector<16xi32>, vector<16xi32>, vector<16xi32>, vector<16xi32>, vector<16xi32>, vector<16xi32>)  : i32 {
      %mul3A_511 = arith.constant 128 : i32
      %mul3A_512 = arith.muli %scan3A_502, %mul3A_511 : i32
      %add3A_513 = arith.constant 0 : i32
      %add3A_514 = arith.addi %mul3A_512, %add3A_513 : i32
      %get3A_515 = arith.constant 0 : i32
      %get3A_516 = arith.index_cast %get3A_515 : i32 to index
      %get3A_517 = arith.index_cast %add3A_514 : i32 to index
      %get3A_518 = tpu.vector_load %arg6[%get3A_516, %get3A_517] {strides = array<i32>} : memref<4x1024xf32, #tpu.memory_space<vmem>>, vector<16xf32>,
      %gt3A = arith.cmpf ogt, %get3A_518, %gather3A : vector<16xf32>
      %select_n3A_519 = arith.select %gt3A, %broadcast_in_dim3A_219, %broadcast_in_dim3A_217 : vector<16xi1>, vector<16xi32>
      %add3A_520 = arith.addi %scan3A_503, %select_n3A_519 : vector<16xi32>
      %mul3A_521 = arith.constant 128 : i32
      %mul3A_522 = arith.muli %scan3A_502, %mul3A_521 : i32
      %add3A_523 = arith.constant 16 : i32
      %add3A_524 = arith.addi %mul3A_522, %add3A_523 : i32
      %get3A_525 = arith.constant 0 : i32
      %get3A_526 = arith.index_cast %get3A_525 : i32 to index
      %get3A_527 = arith.index_cast %add3A_524 : i32 to index
      %get3A_528 = tpu.vector_load %arg6[%get3A_526, %get3A_527] {strides = array<i32>} : memref<4x1024xf32, #tpu.memory_space<vmem>>, vector<16xf32>,
      %gt3A_529 = arith.cmpf ogt, %get3A_528, %gather3A : vector<16xf32>
      %select_n3A_530 = arith.select %gt3A_529, %broadcast_in_dim3A_219, %broadcast_in_dim3A_217 : vector<16xi1>, vector<16xi32>
      %add3A_531 = arith.addi %scan3A_504, %select_n3A_530 : vector<16xi32>
      %mul3A_532 = arith.constant 128 : i32
      %mul3A_533 = arith.muli %scan3A_502, %mul3A_532 : i32
      %add3A_534 = arith.constant 32 : i32
      %add3A_535 = arith.addi %mul3A_533, %add3A_534 : i32
      %get3A_536 = arith.constant 0 : i32
      %get3A_537 = arith.index_cast %get3A_536 : i32 to index
      %get3A_538 = arith.index_cast %add3A_535 : i32 to index
      %get3A_539 = tpu.vector_load %arg6[%get3A_537, %get3A_538] {strides = array<i32>} : memref<4x1024xf32, #tpu.memory_space<vmem>>, vector<16xf32>,
      %gt3A_540 = arith.cmpf ogt, %get3A_539, %gather3A : vector<16xf32>
      %select_n3A_541 = arith.select %gt3A_540, %broadcast_in_dim3A_219, %broadcast_in_dim3A_217 : vector<16xi1>, vector<16xi32>
      %add3A_542 = arith.addi %scan3A_505, %select_n3A_541 : vector<16xi32>
      %mul3A_543 = arith.constant 128 : i32
      %mul3A_544 = arith.muli %scan3A_502, %mul3A_543 : i32
      %add3A_545 = arith.constant 48 : i32
      %add3A_546 = arith.addi %mul3A_544, %add3A_545 : i32
      %get3A_547 = arith.constant 0 : i32
      %get3A_548 = arith.index_cast %get3A_547 : i32 to index
      %get3A_549 = arith.index_cast %add3A_546 : i32 to index
      %get3A_550 = tpu.vector_load %arg6[%get3A_548, %get3A_549] {strides = array<i32>} : memref<4x1024xf32, #tpu.memory_space<vmem>>, vector<16xf32>,
      %gt3A_551 = arith.cmpf ogt, %get3A_550, %gather3A : vector<16xf32>
      %select_n3A_552 = arith.select %gt3A_551, %broadcast_in_dim3A_219, %broadcast_in_dim3A_217 : vector<16xi1>, vector<16xi32>
      %add3A_553 = arith.addi %scan3A_506, %select_n3A_552 : vector<16xi32>
      %mul3A_554 = arith.constant 128 : i32
      %mul3A_555 = arith.muli %scan3A_502, %mul3A_554 : i32
      %add3A_556 = arith.constant 64 : i32
      %add3A_557 = arith.addi %mul3A_555, %add3A_556 : i32
      %get3A_558 = arith.constant 0 : i32
      %get3A_559 = arith.index_cast %get3A_558 : i32 to index
      %get3A_560 = arith.index_cast %add3A_557 : i32 to index
      %get3A_561 = tpu.vector_load %arg6[%get3A_559, %get3A_560] {strides = array<i32>} : memref<4x1024xf32, #tpu.memory_space<vmem>>, vector<16xf32>,
      %gt3A_562 = arith.cmpf ogt, %get3A_561, %gather3A : vector<16xf32>
      %select_n3A_563 = arith.select %gt3A_562, %broadcast_in_dim3A_219, %broadcast_in_dim3A_217 : vector<16xi1>, vector<16xi32>
      %add3A_564 = arith.addi %scan3A_507, %select_n3A_563 : vector<16xi32>
      %mul3A_565 = arith.constant 128 : i32
      %mul3A_566 = arith.muli %scan3A_502, %mul3A_565 : i32
      %add3A_567 = arith.constant 80 : i32
      %add3A_568 = arith.addi %mul3A_566, %add3A_567 : i32
      %get3A_569 = arith.constant 0 : i32
      %get3A_570 = arith.index_cast %get3A_569 : i32 to index
      %get3A_571 = arith.index_cast %add3A_568 : i32 to index
      %get3A_572 = tpu.vector_load %arg6[%get3A_570, %get3A_571] {strides = array<i32>} : memref<4x1024xf32, #tpu.memory_space<vmem>>, vector<16xf32>,
      %gt3A_573 = arith.cmpf ogt, %get3A_572, %gather3A : vector<16xf32>
      %select_n3A_574 = arith.select %gt3A_573, %broadcast_in_dim3A_219, %broadcast_in_dim3A_217 : vector<16xi1>, vector<16xi32>
      %add3A_575 = arith.addi %scan3A_508, %select_n3A_574 : vector<16xi32>
      %mul3A_576 = arith.constant 128 : i32
      %mul3A_577 = arith.muli %scan3A_502, %mul3A_576 : i32
      %add3A_578 = arith.constant 96 : i32
      %add3A_579 = arith.addi %mul3A_577, %add3A_578 : i32
      %get3A_580 = arith.constant 0 : i32
      %get3A_581 = arith.index_cast %get3A_580 : i32 to index
      %get3A_582 = arith.index_cast %add3A_579 : i32 to index
      %get3A_583 = tpu.vector_load %arg6[%get3A_581, %get3A_582] {strides = array<i32>} : memref<4x1024xf32, #tpu.memory_space<vmem>>, vector<16xf32>,
      %gt3A_584 = arith.cmpf ogt, %get3A_583, %gather3A : vector<16xf32>
      %select_n3A_585 = arith.select %gt3A_584, %broadcast_in_dim3A_219, %broadcast_in_dim3A_217 : vector<16xi1>, vector<16xi32>
      %add3A_586 = arith.addi %scan3A_509, %select_n3A_585 : vector<16xi32>
      %mul3A_587 = arith.constant 128 : i32
      %mul3A_588 = arith.muli %scan3A_502, %mul3A_587 : i32
      %add3A_589 = arith.constant 112 : i32
      %add3A_590 = arith.addi %mul3A_588, %add3A_589 : i32
      %get3A_591 = arith.constant 0 : i32
      %get3A_592 = arith.index_cast %get3A_591 : i32 to index
      %get3A_593 = arith.index_cast %add3A_590 : i32 to index
      %get3A_594 = tpu.vector_load %arg6[%get3A_592, %get3A_593] {strides = array<i32>} : memref<4x1024xf32, #tpu.memory_space<vmem>>, vector<16xf32>,
      %gt3A_595 = arith.cmpf ogt, %get3A_594, %gather3A : vector<16xf32>
      %select_n3A_596 = arith.select %gt3A_595, %broadcast_in_dim3A_219, %broadcast_in_dim3A_217 : vector<16xi1>, vector<16xi32>
      %add3A_597 = arith.addi %scan3A_510, %select_n3A_596 : vector<16xi32>
      scf.yield %add3A_520, %add3A_531, %add3A_542, %add3A_553, %add3A_564, %add3A_575, %add3A_586, %add3A_597 : vector<16xi32>, vector<16xi32>, vector<16xi32>, vector<16xi32>, vector<16xi32>, vector<16xi32>, vector<16xi32>, vector<16xi32>
    }
    %scan3A_272 = arith.constant 8 : i32
    %add3A_273 = arith.addi %scan3A_271#0, %scan3A_271#1 : vector<16xi32>
    %add3A_274 = arith.addi %add3A_273, %scan3A_271#2 : vector<16xi32>
    %add3A_275 = arith.addi %add3A_274, %scan3A_271#3 : vector<16xi32>
    %add3A_276 = arith.addi %add3A_275, %scan3A_271#4 : vector<16xi32>
    %add3A_277 = arith.addi %add3A_276, %scan3A_271#5 : vector<16xi32>
    %add3A_278 = arith.addi %add3A_277, %scan3A_271#6 : vector<16xi32>
    %add3A_279 = arith.addi %add3A_278, %scan3A_271#7 : vector<16xi32>
    %reduce_sum3A = arith.constant true
    %reduce_sum3A_280 = vector.broadcast %reduce_sum3A : i1 to vector<16xi1>
    %reduce_sum3A_281 = tpu.scan <sum>, %add3A_279 masked %reduce_sum3A_280 : vector<16xi32>, vector<16xi1> -> vector<16xi32>
    %reduce_sum3A_282 = vector.extract %reduce_sum3A_281[15] : i32 from vector<16xi32>
    %ge3A = arith.constant 5 : i32
    %ge3A_283 = arith.cmpi sge, %reduce_sum3A_282, %ge3A : i32
    %convert_element_type3A = arith.extui %ge3A_283 : i1 to i32
    %cond3A = arith.constant 0 : i32
    %cond3A_284 = arith.cmpi ne, %convert_element_type3A, %cond3A : i32
    %cond3A_285 = scf.if %cond3A_284 -> (f32) {
      %cond3A_502 = arith.constant 0.000000e+00 : f32
      scf.yield %cond3A_502 : f32
    } else {
      "tpu.region"() ({
        %run_scoped3A = tpu.sem_alloc : memref<!tpu.dma_semaphore, #tpu.memory_space<semaphore_mem>>
        %dma_start3A_516 = arith.constant 0 : i32
        %dma_start3A_517 = tpu.memref_slice %arg2[%add3A_221, %dma_start3A_516] : memref<128x32768xf32, #tpu.memory_space<hbm>> -> memref<1x32768xf32, #tpu.memory_space<hbm>>
        %dma_start3A_518 = tpu.memref_squeeze %dma_start3A_517 : memref<1x32768xf32, #tpu.memory_space<hbm>> -> memref<32768xf32, #tpu.memory_space<hbm>>
        %dma_start3A_519 = arith.constant 0 : i32
        %dma_start3A_520 = tpu.memref_slice %arg2[%add3A_221, %dma_start3A_519] : memref<128x32768xf32, #tpu.memory_space<hbm>> -> memref<1x32768xf32, #tpu.memory_space<hbm>>
        %dma_start3A_521 = tpu.memref_squeeze %dma_start3A_520 : memref<1x32768xf32, #tpu.memory_space<hbm>> -> memref<32768xf32, #tpu.memory_space<hbm>>
        tpu.enqueue_dma source(%dma_start3A_521 : memref<32768xf32, #tpu.memory_space<hbm>>) target(%arg7 : memref<32768xf32, #tpu.memory_space<vmem>>) target_semaphore(%run_scoped3A : memref<!tpu.dma_semaphore, #tpu.memory_space<semaphore_mem>>)
        %dma_wait3A_522 = arith.constant 0 : i32
        %dma_wait3A_523 = tpu.memref_slice %arg2[%add3A_221, %dma_wait3A_522] : memref<128x32768xf32, #tpu.memory_space<hbm>> -> memref<1x32768xf32, #tpu.memory_space<hbm>>
        %dma_wait3A_524 = tpu.memref_squeeze %dma_wait3A_523 : memref<1x32768xf32, #tpu.memory_space<hbm>> -> memref<32768xf32, #tpu.memory_space<hbm>>
        %dma_wait3A_525 = arith.constant 0 : i32
        %dma_wait3A_526 = tpu.memref_slice %arg2[%add3A_221, %dma_wait3A_525] : memref<128x32768xf32, #tpu.memory_space<hbm>> -> memref<1x32768xf32, #tpu.memory_space<hbm>>
        %dma_wait3A_527 = tpu.memref_squeeze %dma_wait3A_526 : memref<1x32768xf32, #tpu.memory_space<hbm>> -> memref<32768xf32, #tpu.memory_space<hbm>>
        tpu.wait_dma2 semaphore(%run_scoped3A : memref<!tpu.dma_semaphore, #tpu.memory_space<semaphore_mem>>) src(%dma_wait3A_527 : memref<32768xf32, #tpu.memory_space<hbm>>) dst(%arg7 : memref<32768xf32, #tpu.memory_space<vmem>>)
        tpu.yield
      }) : () -> ()
      %scan3A_502 = arith.constant 0 : i32
      %scan3A_503 = arith.constant 2048 : i32
      %scan3A_504 = arith.addi %scan3A_502, %scan3A_503 : i32
      %scan3A_505 = arith.constant 1 : i32
      %scan3A_506 = scf.for %scan3A_516 = %scan3A_502 to %scan3A_504 step %scan3A_505 iter_args(%scan3A_517 = %broadcast_in_dim3A_217) -> (vector<16xi32>)  : i32 {
        %mul3A_518 = arith.constant 16 : i32
        %mul3A_519 = arith.muli %scan3A_516, %mul3A_518 : i32
        %get3A_520 = arith.index_cast %mul3A_519 : i32 to index
        %get3A_521 = tpu.vector_load %arg7[%get3A_520] {strides = array<i32>} : memref<32768xf32, #tpu.memory_space<vmem>>, vector<16xf32>,
        %mul3A_522 = arith.constant 16 : i32
        %mul3A_523 = arith.muli %scan3A_516, %mul3A_522 : i32
        %add3A_524 = vector.broadcast %mul3A_523 : i32 to vector<16xi32>
        %add3A_525 = arith.addi %iota3A, %add3A_524 : vector<16xi32>
        %gt3A = arith.cmpf ogt, %get3A_521, %gather3A : vector<16xf32>
        %eq3A_526 = arith.cmpf oeq, %get3A_521, %gather3A : vector<16xf32>
        %lt3A_527 = arith.cmpi slt, %add3A_525, %broadcast_in_dim3A_222 : vector<16xi32>
        %and3A_528 = arith.andi %eq3A_526, %lt3A_527 : vector<16xi1>
        %or3A = arith.ori %gt3A, %and3A_528 : vector<16xi1>
        %select_n3A_529 = arith.select %or3A, %broadcast_in_dim3A_219, %broadcast_in_dim3A_217 : vector<16xi1>, vector<16xi32>
        %add3A_530 = arith.addi %scan3A_517, %select_n3A_529 : vector<16xi32>
        scf.yield %add3A_530 : vector<16xi32>
      }
      %scan3A_507 = arith.constant 2048 : i32
      %reduce_sum3A_508 = arith.constant true
      %reduce_sum3A_509 = vector.broadcast %reduce_sum3A_508 : i1 to vector<16xi1>
      %reduce_sum3A_510 = tpu.scan <sum>, %scan3A_506 masked %reduce_sum3A_509 : vector<16xi32>, vector<16xi1> -> vector<16xi32>
      %reduce_sum3A_511 = vector.extract %reduce_sum3A_510[15] : i32 from vector<16xi32>
      %lt3A = arith.constant 5 : i32
      %lt3A_512 = arith.cmpi slt, %reduce_sum3A_511, %lt3A : i32
      %jit3A_513 = arith.constant 1.000000e+00 : f32
      %jit3A_514 = arith.constant 0.000000e+00 : f32
      %select_n3A_515 = arith.select %lt3A_512, %jit3A_513, %jit3A_514 : f32
      scf.yield %select_n3A_515 : f32
    }
    %add3A_286 = arith.constant 0.000000e+00 : f32
    %add3A_287 = arith.addf %add3A_286, %cond3A_285 : f32
    %add3A_288 = arith.constant 1 : i32
    %add3A_289 = arith.addi %mul3A_2, %add3A_288 : i32
    %broadcast_in_dim3A_290 = vector.broadcast %squeeze3A_85 : i32 to vector<16xi32>
    %dma_wait3A_291 = arith.constant 1 : i32
    %dma_wait3A_292 = arith.constant 0 : i32
    %dma_wait3A_293 = tpu.memref_slice %arg8[%dma_wait3A_291, %dma_wait3A_292] : memref<4x16xf32, #tpu.memory_space<vmem>> -> memref<1x16xf32, #tpu.memory_space<vmem>>
    %dma_wait3A_294 = tpu.memref_squeeze %dma_wait3A_293 : memref<1x16xf32, #tpu.memory_space<vmem>> -> memref<16xf32, #tpu.memory_space<vmem>>
    %dma_wait3A_295 = tpu.memref_slice %arg2[%add3A_113, %mul3A_111] : memref<128x32768xf32, #tpu.memory_space<hbm>> -> memref<1x16xf32, #tpu.memory_space<hbm>>
    %dma_wait3A_296 = tpu.memref_squeeze %dma_wait3A_295 : memref<1x16xf32, #tpu.memory_space<hbm>> -> memref<16xf32, #tpu.memory_space<hbm>>
    %dma_wait3A_297 = arith.constant 0 : i32
    %dma_wait3A_298 = tpu.memref_slice %arg8[%dma_wait3A_291, %dma_wait3A_297] : memref<4x16xf32, #tpu.memory_space<vmem>> -> memref<1x16xf32, #tpu.memory_space<vmem>>
    %dma_wait3A_299 = tpu.memref_squeeze %dma_wait3A_298 : memref<1x16xf32, #tpu.memory_space<vmem>> -> memref<16xf32, #tpu.memory_space<vmem>>
    %dma_wait3A_300 = tpu.memref_slice %arg2[%add3A_113, %mul3A_111] : memref<128x32768xf32, #tpu.memory_space<hbm>> -> memref<1x16xf32, #tpu.memory_space<hbm>>
    %dma_wait3A_301 = tpu.memref_squeeze %dma_wait3A_300 : memref<1x16xf32, #tpu.memory_space<hbm>> -> memref<16xf32, #tpu.memory_space<hbm>>
    tpu.wait_dma2 semaphore(%arg13 : memref<!tpu.dma_semaphore, #tpu.memory_space<semaphore_mem>>) src(%dma_wait3A_301 : memref<16xf32, #tpu.memory_space<hbm>>) dst(%dma_wait3A_299 : memref<16xf32, #tpu.memory_space<vmem>>)
    %broadcast_in_dim3A_302 = arith.constant 1 : i32
    %broadcast_in_dim3A_303 = vector.broadcast %broadcast_in_dim3A_302 : i32 to vector<16xi32>
    %jit3A_304 = arith.constant 16 : i32
    %div3A_305 = arith.divsi %squeeze3A_85, %jit3A_304 : i32
    %sign3A_306 = arith.constant 0 : i32
    %sign3A_307 = arith.cmpi sgt, %squeeze3A_85, %sign3A_306 : i32
    %sign3A_308 = arith.extui %sign3A_307 : i1 to i32
    %sign3A_309 = arith.constant 0 : i32
    %sign3A_310 = arith.cmpi slt, %squeeze3A_85, %sign3A_309 : i32
    %sign3A_311 = arith.extui %sign3A_310 : i1 to i32
    %sign3A_312 = arith.subi %sign3A_308, %sign3A_311 : i32
    %sign3A_313 = arith.constant 0 : i32
    %sign3A_314 = arith.cmpi sgt, %jit3A_304, %sign3A_313 : i32
    %sign3A_315 = arith.extui %sign3A_314 : i1 to i32
    %sign3A_316 = arith.constant 0 : i32
    %sign3A_317 = arith.cmpi slt, %jit3A_304, %sign3A_316 : i32
    %sign3A_318 = arith.extui %sign3A_317 : i1 to i32
    %sign3A_319 = arith.subi %sign3A_315, %sign3A_318 : i32
    %ne3A_320 = arith.cmpi ne, %sign3A_312, %sign3A_319 : i32
    %rem3A_321 = arith.remsi %squeeze3A_85, %jit3A_304 : i32
    %ne3A_322 = arith.constant 0 : i32
    %ne3A_323 = arith.cmpi ne, %rem3A_321, %ne3A_322 : i32
    %and3A_324 = arith.andi %ne3A_320, %ne3A_323 : i1
    %sub3A_325 = arith.constant 1 : i32
    %sub3A_326 = arith.subi %div3A_305, %sub3A_325 : i32
    %select_n3A_327 = arith.select %and3A_324, %sub3A_326, %div3A_305 : i32
    %mul3A_328 = arith.constant 16 : i32
    %mul3A_329 = arith.muli %select_n3A_327, %mul3A_328 : i32
    %sub3A_330 = vector.broadcast %mul3A_329 : i32 to vector<16xi32>
    %sub3A_331 = arith.subi %broadcast_in_dim3A_290, %sub3A_330 : vector<16xi32>
    %gather3A_332 = tpu.vector_load_idx %arg8[%broadcast_in_dim3A_303, %sub3A_331] : memref<4x16xf32, #tpu.memory_space<vmem>>[vector<16xi32>, vector<16xi32>], vector<16xf32>,
    %scan3A_333 = arith.constant 0 : i32
    %scan3A_334 = arith.constant 8 : i32
    %scan3A_335 = arith.addi %scan3A_333, %scan3A_334 : i32
    %scan3A_336 = arith.constant 1 : i32
    %scan3A_337:8 = scf.for %scan3A_502 = %scan3A_333 to %scan3A_335 step %scan3A_336 iter_args(%scan3A_503 = %broadcast_in_dim3A_217, %scan3A_504 = %broadcast_in_dim3A_217, %scan3A_505 = %broadcast_in_dim3A_217, %scan3A_506 = %broadcast_in_dim3A_217, %scan3A_507 = %broadcast_in_dim3A_217, %scan3A_508 = %broadcast_in_dim3A_217, %scan3A_509 = %broadcast_in_dim3A_217, %scan3A_510 = %broadcast_in_dim3A_217) -> (vector<16xi32>, vector<16xi32>, vector<16xi32>, vector<16xi32>, vector<16xi32>, vector<16xi32>, vector<16xi32>, vector<16xi32>)  : i32 {
      %mul3A_511 = arith.constant 128 : i32
      %mul3A_512 = arith.muli %scan3A_502, %mul3A_511 : i32
      %add3A_513 = arith.constant 0 : i32
      %add3A_514 = arith.addi %mul3A_512, %add3A_513 : i32
      %get3A_515 = arith.constant 1 : i32
      %get3A_516 = arith.index_cast %get3A_515 : i32 to index
      %get3A_517 = arith.index_cast %add3A_514 : i32 to index
      %get3A_518 = tpu.vector_load %arg6[%get3A_516, %get3A_517] {strides = array<i32>} : memref<4x1024xf32, #tpu.memory_space<vmem>>, vector<16xf32>,
      %gt3A = arith.cmpf ogt, %get3A_518, %gather3A_332 : vector<16xf32>
      %select_n3A_519 = arith.select %gt3A, %broadcast_in_dim3A_219, %broadcast_in_dim3A_217 : vector<16xi1>, vector<16xi32>
      %add3A_520 = arith.addi %scan3A_503, %select_n3A_519 : vector<16xi32>
      %mul3A_521 = arith.constant 128 : i32
      %mul3A_522 = arith.muli %scan3A_502, %mul3A_521 : i32
      %add3A_523 = arith.constant 16 : i32
      %add3A_524 = arith.addi %mul3A_522, %add3A_523 : i32
      %get3A_525 = arith.constant 1 : i32
      %get3A_526 = arith.index_cast %get3A_525 : i32 to index
      %get3A_527 = arith.index_cast %add3A_524 : i32 to index
      %get3A_528 = tpu.vector_load %arg6[%get3A_526, %get3A_527] {strides = array<i32>} : memref<4x1024xf32, #tpu.memory_space<vmem>>, vector<16xf32>,
      %gt3A_529 = arith.cmpf ogt, %get3A_528, %gather3A_332 : vector<16xf32>
      %select_n3A_530 = arith.select %gt3A_529, %broadcast_in_dim3A_219, %broadcast_in_dim3A_217 : vector<16xi1>, vector<16xi32>
      %add3A_531 = arith.addi %scan3A_504, %select_n3A_530 : vector<16xi32>
      %mul3A_532 = arith.constant 128 : i32
      %mul3A_533 = arith.muli %scan3A_502, %mul3A_532 : i32
      %add3A_534 = arith.constant 32 : i32
      %add3A_535 = arith.addi %mul3A_533, %add3A_534 : i32
      %get3A_536 = arith.constant 1 : i32
      %get3A_537 = arith.index_cast %get3A_536 : i32 to index
      %get3A_538 = arith.index_cast %add3A_535 : i32 to index
      %get3A_539 = tpu.vector_load %arg6[%get3A_537, %get3A_538] {strides = array<i32>} : memref<4x1024xf32, #tpu.memory_space<vmem>>, vector<16xf32>,
      %gt3A_540 = arith.cmpf ogt, %get3A_539, %gather3A_332 : vector<16xf32>
      %select_n3A_541 = arith.select %gt3A_540, %broadcast_in_dim3A_219, %broadcast_in_dim3A_217 : vector<16xi1>, vector<16xi32>
      %add3A_542 = arith.addi %scan3A_505, %select_n3A_541 : vector<16xi32>
      %mul3A_543 = arith.constant 128 : i32
      %mul3A_544 = arith.muli %scan3A_502, %mul3A_543 : i32
      %add3A_545 = arith.constant 48 : i32
      %add3A_546 = arith.addi %mul3A_544, %add3A_545 : i32
      %get3A_547 = arith.constant 1 : i32
      %get3A_548 = arith.index_cast %get3A_547 : i32 to index
      %get3A_549 = arith.index_cast %add3A_546 : i32 to index
      %get3A_550 = tpu.vector_load %arg6[%get3A_548, %get3A_549] {strides = array<i32>} : memref<4x1024xf32, #tpu.memory_space<vmem>>, vector<16xf32>,
      %gt3A_551 = arith.cmpf ogt, %get3A_550, %gather3A_332 : vector<16xf32>
      %select_n3A_552 = arith.select %gt3A_551, %broadcast_in_dim3A_219, %broadcast_in_dim3A_217 : vector<16xi1>, vector<16xi32>
      %add3A_553 = arith.addi %scan3A_506, %select_n3A_552 : vector<16xi32>
      %mul3A_554 = arith.constant 128 : i32
      %mul3A_555 = arith.muli %scan3A_502, %mul3A_554 : i32
      %add3A_556 = arith.constant 64 : i32
      %add3A_557 = arith.addi %mul3A_555, %add3A_556 : i32
      %get3A_558 = arith.constant 1 : i32
      %get3A_559 = arith.index_cast %get3A_558 : i32 to index
      %get3A_560 = arith.index_cast %add3A_557 : i32 to index
      %get3A_561 = tpu.vector_load %arg6[%get3A_559, %get3A_560] {strides = array<i32>} : memref<4x1024xf32, #tpu.memory_space<vmem>>, vector<16xf32>,
      %gt3A_562 = arith.cmpf ogt, %get3A_561, %gather3A_332 : vector<16xf32>
      %select_n3A_563 = arith.select %gt3A_562, %broadcast_in_dim3A_219, %broadcast_in_dim3A_217 : vector<16xi1>, vector<16xi32>
      %add3A_564 = arith.addi %scan3A_507, %select_n3A_563 : vector<16xi32>
      %mul3A_565 = arith.constant 128 : i32
      %mul3A_566 = arith.muli %scan3A_502, %mul3A_565 : i32
      %add3A_567 = arith.constant 80 : i32
      %add3A_568 = arith.addi %mul3A_566, %add3A_567 : i32
      %get3A_569 = arith.constant 1 : i32
      %get3A_570 = arith.index_cast %get3A_569 : i32 to index
      %get3A_571 = arith.index_cast %add3A_568 : i32 to index
      %get3A_572 = tpu.vector_load %arg6[%get3A_570, %get3A_571] {strides = array<i32>} : memref<4x1024xf32, #tpu.memory_space<vmem>>, vector<16xf32>,
      %gt3A_573 = arith.cmpf ogt, %get3A_572, %gather3A_332 : vector<16xf32>
      %select_n3A_574 = arith.select %gt3A_573, %broadcast_in_dim3A_219, %broadcast_in_dim3A_217 : vector<16xi1>, vector<16xi32>
      %add3A_575 = arith.addi %scan3A_508, %select_n3A_574 : vector<16xi32>
      %mul3A_576 = arith.constant 128 : i32
      %mul3A_577 = arith.muli %scan3A_502, %mul3A_576 : i32
      %add3A_578 = arith.constant 96 : i32
      %add3A_579 = arith.addi %mul3A_577, %add3A_578 : i32
      %get3A_580 = arith.constant 1 : i32
      %get3A_581 = arith.index_cast %get3A_580 : i32 to index
      %get3A_582 = arith.index_cast %add3A_579 : i32 to index
      %get3A_583 = tpu.vector_load %arg6[%get3A_581, %get3A_582] {strides = array<i32>} : memref<4x1024xf32, #tpu.memory_space<vmem>>, vector<16xf32>,
      %gt3A_584 = arith.cmpf ogt, %get3A_583, %gather3A_332 : vector<16xf32>
      %select_n3A_585 = arith.select %gt3A_584, %broadcast_in_dim3A_219, %broadcast_in_dim3A_217 : vector<16xi1>, vector<16xi32>
      %add3A_586 = arith.addi %scan3A_509, %select_n3A_585 : vector<16xi32>
      %mul3A_587 = arith.constant 128 : i32
      %mul3A_588 = arith.muli %scan3A_502, %mul3A_587 : i32
      %add3A_589 = arith.constant 112 : i32
      %add3A_590 = arith.addi %mul3A_588, %add3A_589 : i32
      %get3A_591 = arith.constant 1 : i32
      %get3A_592 = arith.index_cast %get3A_591 : i32 to index
      %get3A_593 = arith.index_cast %add3A_590 : i32 to index
      %get3A_594 = tpu.vector_load %arg6[%get3A_592, %get3A_593] {strides = array<i32>} : memref<4x1024xf32, #tpu.memory_space<vmem>>, vector<16xf32>,
      %gt3A_595 = arith.cmpf ogt, %get3A_594, %gather3A_332 : vector<16xf32>
      %select_n3A_596 = arith.select %gt3A_595, %broadcast_in_dim3A_219, %broadcast_in_dim3A_217 : vector<16xi1>, vector<16xi32>
      %add3A_597 = arith.addi %scan3A_510, %select_n3A_596 : vector<16xi32>
      scf.yield %add3A_520, %add3A_531, %add3A_542, %add3A_553, %add3A_564, %add3A_575, %add3A_586, %add3A_597 : vector<16xi32>, vector<16xi32>, vector<16xi32>, vector<16xi32>, vector<16xi32>, vector<16xi32>, vector<16xi32>, vector<16xi32>
    }
    %scan3A_338 = arith.constant 8 : i32
    %add3A_339 = arith.addi %scan3A_337#0, %scan3A_337#1 : vector<16xi32>
    %add3A_340 = arith.addi %add3A_339, %scan3A_337#2 : vector<16xi32>
    %add3A_341 = arith.addi %add3A_340, %scan3A_337#3 : vector<16xi32>
    %add3A_342 = arith.addi %add3A_341, %scan3A_337#4 : vector<16xi32>
    %add3A_343 = arith.addi %add3A_342, %scan3A_337#5 : vector<16xi32>
    %add3A_344 = arith.addi %add3A_343, %scan3A_337#6 : vector<16xi32>
    %add3A_345 = arith.addi %add3A_344, %scan3A_337#7 : vector<16xi32>
    %reduce_sum3A_346 = arith.constant true
    %reduce_sum3A_347 = vector.broadcast %reduce_sum3A_346 : i1 to vector<16xi1>
    %reduce_sum3A_348 = tpu.scan <sum>, %add3A_345 masked %reduce_sum3A_347 : vector<16xi32>, vector<16xi1> -> vector<16xi32>
    %reduce_sum3A_349 = vector.extract %reduce_sum3A_348[15] : i32 from vector<16xi32>
    %ge3A_350 = arith.constant 5 : i32
    %ge3A_351 = arith.cmpi sge, %reduce_sum3A_349, %ge3A_350 : i32
    %convert_element_type3A_352 = arith.extui %ge3A_351 : i1 to i32
    %cond3A_353 = arith.constant 0 : i32
    %cond3A_354 = arith.cmpi ne, %convert_element_type3A_352, %cond3A_353 : i32
    %cond3A_355 = scf.if %cond3A_354 -> (f32) {
      %cond3A_502 = arith.constant 0.000000e+00 : f32
      scf.yield %cond3A_502 : f32
    } else {
      "tpu.region"() ({
        %run_scoped3A = tpu.sem_alloc : memref<!tpu.dma_semaphore, #tpu.memory_space<semaphore_mem>>
        %dma_start3A_516 = arith.constant 0 : i32
        %dma_start3A_517 = tpu.memref_slice %arg2[%add3A_289, %dma_start3A_516] : memref<128x32768xf32, #tpu.memory_space<hbm>> -> memref<1x32768xf32, #tpu.memory_space<hbm>>
        %dma_start3A_518 = tpu.memref_squeeze %dma_start3A_517 : memref<1x32768xf32, #tpu.memory_space<hbm>> -> memref<32768xf32, #tpu.memory_space<hbm>>
        %dma_start3A_519 = arith.constant 0 : i32
        %dma_start3A_520 = tpu.memref_slice %arg2[%add3A_289, %dma_start3A_519] : memref<128x32768xf32, #tpu.memory_space<hbm>> -> memref<1x32768xf32, #tpu.memory_space<hbm>>
        %dma_start3A_521 = tpu.memref_squeeze %dma_start3A_520 : memref<1x32768xf32, #tpu.memory_space<hbm>> -> memref<32768xf32, #tpu.memory_space<hbm>>
        tpu.enqueue_dma source(%dma_start3A_521 : memref<32768xf32, #tpu.memory_space<hbm>>) target(%arg7 : memref<32768xf32, #tpu.memory_space<vmem>>) target_semaphore(%run_scoped3A : memref<!tpu.dma_semaphore, #tpu.memory_space<semaphore_mem>>)
        %dma_wait3A_522 = arith.constant 0 : i32
        %dma_wait3A_523 = tpu.memref_slice %arg2[%add3A_289, %dma_wait3A_522] : memref<128x32768xf32, #tpu.memory_space<hbm>> -> memref<1x32768xf32, #tpu.memory_space<hbm>>
        %dma_wait3A_524 = tpu.memref_squeeze %dma_wait3A_523 : memref<1x32768xf32, #tpu.memory_space<hbm>> -> memref<32768xf32, #tpu.memory_space<hbm>>
        %dma_wait3A_525 = arith.constant 0 : i32
        %dma_wait3A_526 = tpu.memref_slice %arg2[%add3A_289, %dma_wait3A_525] : memref<128x32768xf32, #tpu.memory_space<hbm>> -> memref<1x32768xf32, #tpu.memory_space<hbm>>
        %dma_wait3A_527 = tpu.memref_squeeze %dma_wait3A_526 : memref<1x32768xf32, #tpu.memory_space<hbm>> -> memref<32768xf32, #tpu.memory_space<hbm>>
        tpu.wait_dma2 semaphore(%run_scoped3A : memref<!tpu.dma_semaphore, #tpu.memory_space<semaphore_mem>>) src(%dma_wait3A_527 : memref<32768xf32, #tpu.memory_space<hbm>>) dst(%arg7 : memref<32768xf32, #tpu.memory_space<vmem>>)
        tpu.yield
      }) : () -> ()
      %scan3A_502 = arith.constant 0 : i32
      %scan3A_503 = arith.constant 2048 : i32
      %scan3A_504 = arith.addi %scan3A_502, %scan3A_503 : i32
      %scan3A_505 = arith.constant 1 : i32
      %scan3A_506 = scf.for %scan3A_516 = %scan3A_502 to %scan3A_504 step %scan3A_505 iter_args(%scan3A_517 = %broadcast_in_dim3A_217) -> (vector<16xi32>)  : i32 {
        %mul3A_518 = arith.constant 16 : i32
        %mul3A_519 = arith.muli %scan3A_516, %mul3A_518 : i32
        %get3A_520 = arith.index_cast %mul3A_519 : i32 to index
        %get3A_521 = tpu.vector_load %arg7[%get3A_520] {strides = array<i32>} : memref<32768xf32, #tpu.memory_space<vmem>>, vector<16xf32>,
        %mul3A_522 = arith.constant 16 : i32
        %mul3A_523 = arith.muli %scan3A_516, %mul3A_522 : i32
        %add3A_524 = vector.broadcast %mul3A_523 : i32 to vector<16xi32>
        %add3A_525 = arith.addi %iota3A, %add3A_524 : vector<16xi32>
        %gt3A = arith.cmpf ogt, %get3A_521, %gather3A_332 : vector<16xf32>
        %eq3A_526 = arith.cmpf oeq, %get3A_521, %gather3A_332 : vector<16xf32>
        %lt3A_527 = arith.cmpi slt, %add3A_525, %broadcast_in_dim3A_290 : vector<16xi32>
        %and3A_528 = arith.andi %eq3A_526, %lt3A_527 : vector<16xi1>
        %or3A = arith.ori %gt3A, %and3A_528 : vector<16xi1>
        %select_n3A_529 = arith.select %or3A, %broadcast_in_dim3A_219, %broadcast_in_dim3A_217 : vector<16xi1>, vector<16xi32>
        %add3A_530 = arith.addi %scan3A_517, %select_n3A_529 : vector<16xi32>
        scf.yield %add3A_530 : vector<16xi32>
      }
      %scan3A_507 = arith.constant 2048 : i32
      %reduce_sum3A_508 = arith.constant true
      %reduce_sum3A_509 = vector.broadcast %reduce_sum3A_508 : i1 to vector<16xi1>
      %reduce_sum3A_510 = tpu.scan <sum>, %scan3A_506 masked %reduce_sum3A_509 : vector<16xi32>, vector<16xi1> -> vector<16xi32>
      %reduce_sum3A_511 = vector.extract %reduce_sum3A_510[15] : i32 from vector<16xi32>
      %lt3A = arith.constant 5 : i32
      %lt3A_512 = arith.cmpi slt, %reduce_sum3A_511, %lt3A : i32
      %jit3A_513 = arith.constant 1.000000e+00 : f32
      %jit3A_514 = arith.constant 0.000000e+00 : f32
      %select_n3A_515 = arith.select %lt3A_512, %jit3A_513, %jit3A_514 : f32
      scf.yield %select_n3A_515 : f32
    }
    %add3A_356 = arith.addf %add3A_287, %cond3A_355 : f32
    %add3A_357 = arith.constant 2 : i32
    %add3A_358 = arith.addi %mul3A_2, %add3A_357 : i32
    %broadcast_in_dim3A_359 = vector.broadcast %squeeze3A_131 : i32 to vector<16xi32>
    %dma_wait3A_360 = arith.constant 2 : i32
    %dma_wait3A_361 = arith.constant 0 : i32
    %dma_wait3A_362 = tpu.memref_slice %arg8[%dma_wait3A_360, %dma_wait3A_361] : memref<4x16xf32, #tpu.memory_space<vmem>> -> memref<1x16xf32, #tpu.memory_space<vmem>>
    %dma_wait3A_363 = tpu.memref_squeeze %dma_wait3A_362 : memref<1x16xf32, #tpu.memory_space<vmem>> -> memref<16xf32, #tpu.memory_space<vmem>>
    %dma_wait3A_364 = tpu.memref_slice %arg2[%add3A_159, %mul3A_157] : memref<128x32768xf32, #tpu.memory_space<hbm>> -> memref<1x16xf32, #tpu.memory_space<hbm>>
    %dma_wait3A_365 = tpu.memref_squeeze %dma_wait3A_364 : memref<1x16xf32, #tpu.memory_space<hbm>> -> memref<16xf32, #tpu.memory_space<hbm>>
    %dma_wait3A_366 = arith.constant 0 : i32
    %dma_wait3A_367 = tpu.memref_slice %arg8[%dma_wait3A_360, %dma_wait3A_366] : memref<4x16xf32, #tpu.memory_space<vmem>> -> memref<1x16xf32, #tpu.memory_space<vmem>>
    %dma_wait3A_368 = tpu.memref_squeeze %dma_wait3A_367 : memref<1x16xf32, #tpu.memory_space<vmem>> -> memref<16xf32, #tpu.memory_space<vmem>>
    %dma_wait3A_369 = tpu.memref_slice %arg2[%add3A_159, %mul3A_157] : memref<128x32768xf32, #tpu.memory_space<hbm>> -> memref<1x16xf32, #tpu.memory_space<hbm>>
    %dma_wait3A_370 = tpu.memref_squeeze %dma_wait3A_369 : memref<1x16xf32, #tpu.memory_space<hbm>> -> memref<16xf32, #tpu.memory_space<hbm>>
    tpu.wait_dma2 semaphore(%arg14 : memref<!tpu.dma_semaphore, #tpu.memory_space<semaphore_mem>>) src(%dma_wait3A_370 : memref<16xf32, #tpu.memory_space<hbm>>) dst(%dma_wait3A_368 : memref<16xf32, #tpu.memory_space<vmem>>)
    %broadcast_in_dim3A_371 = arith.constant 2 : i32
    %broadcast_in_dim3A_372 = vector.broadcast %broadcast_in_dim3A_371 : i32 to vector<16xi32>
    %jit3A_373 = arith.constant 16 : i32
    %div3A_374 = arith.divsi %squeeze3A_131, %jit3A_373 : i32
    %sign3A_375 = arith.constant 0 : i32
    %sign3A_376 = arith.cmpi sgt, %squeeze3A_131, %sign3A_375 : i32
    %sign3A_377 = arith.extui %sign3A_376 : i1 to i32
    %sign3A_378 = arith.constant 0 : i32
    %sign3A_379 = arith.cmpi slt, %squeeze3A_131, %sign3A_378 : i32
    %sign3A_380 = arith.extui %sign3A_379 : i1 to i32
    %sign3A_381 = arith.subi %sign3A_377, %sign3A_380 : i32
    %sign3A_382 = arith.constant 0 : i32
    %sign3A_383 = arith.cmpi sgt, %jit3A_373, %sign3A_382 : i32
    %sign3A_384 = arith.extui %sign3A_383 : i1 to i32
    %sign3A_385 = arith.constant 0 : i32
    %sign3A_386 = arith.cmpi slt, %jit3A_373, %sign3A_385 : i32
    %sign3A_387 = arith.extui %sign3A_386 : i1 to i32
    %sign3A_388 = arith.subi %sign3A_384, %sign3A_387 : i32
    %ne3A_389 = arith.cmpi ne, %sign3A_381, %sign3A_388 : i32
    %rem3A_390 = arith.remsi %squeeze3A_131, %jit3A_373 : i32
    %ne3A_391 = arith.constant 0 : i32
    %ne3A_392 = arith.cmpi ne, %rem3A_390, %ne3A_391 : i32
    %and3A_393 = arith.andi %ne3A_389, %ne3A_392 : i1
    %sub3A_394 = arith.constant 1 : i32
    %sub3A_395 = arith.subi %div3A_374, %sub3A_394 : i32
    %select_n3A_396 = arith.select %and3A_393, %sub3A_395, %div3A_374 : i32
    %mul3A_397 = arith.constant 16 : i32
    %mul3A_398 = arith.muli %select_n3A_396, %mul3A_397 : i32
    %sub3A_399 = vector.broadcast %mul3A_398 : i32 to vector<16xi32>
    %sub3A_400 = arith.subi %broadcast_in_dim3A_359, %sub3A_399 : vector<16xi32>
    %gather3A_401 = tpu.vector_load_idx %arg8[%broadcast_in_dim3A_372, %sub3A_400] : memref<4x16xf32, #tpu.memory_space<vmem>>[vector<16xi32>, vector<16xi32>], vector<16xf32>,
    %scan3A_402 = arith.constant 0 : i32
    %scan3A_403 = arith.constant 8 : i32
    %scan3A_404 = arith.addi %scan3A_402, %scan3A_403 : i32
    %scan3A_405 = arith.constant 1 : i32
    %scan3A_406:8 = scf.for %scan3A_502 = %scan3A_402 to %scan3A_404 step %scan3A_405 iter_args(%scan3A_503 = %broadcast_in_dim3A_217, %scan3A_504 = %broadcast_in_dim3A_217, %scan3A_505 = %broadcast_in_dim3A_217, %scan3A_506 = %broadcast_in_dim3A_217, %scan3A_507 = %broadcast_in_dim3A_217, %scan3A_508 = %broadcast_in_dim3A_217, %scan3A_509 = %broadcast_in_dim3A_217, %scan3A_510 = %broadcast_in_dim3A_217) -> (vector<16xi32>, vector<16xi32>, vector<16xi32>, vector<16xi32>, vector<16xi32>, vector<16xi32>, vector<16xi32>, vector<16xi32>)  : i32 {
      %mul3A_511 = arith.constant 128 : i32
      %mul3A_512 = arith.muli %scan3A_502, %mul3A_511 : i32
      %add3A_513 = arith.constant 0 : i32
      %add3A_514 = arith.addi %mul3A_512, %add3A_513 : i32
      %get3A_515 = arith.constant 2 : i32
      %get3A_516 = arith.index_cast %get3A_515 : i32 to index
      %get3A_517 = arith.index_cast %add3A_514 : i32 to index
      %get3A_518 = tpu.vector_load %arg6[%get3A_516, %get3A_517] {strides = array<i32>} : memref<4x1024xf32, #tpu.memory_space<vmem>>, vector<16xf32>,
      %gt3A = arith.cmpf ogt, %get3A_518, %gather3A_401 : vector<16xf32>
      %select_n3A_519 = arith.select %gt3A, %broadcast_in_dim3A_219, %broadcast_in_dim3A_217 : vector<16xi1>, vector<16xi32>
      %add3A_520 = arith.addi %scan3A_503, %select_n3A_519 : vector<16xi32>
      %mul3A_521 = arith.constant 128 : i32
      %mul3A_522 = arith.muli %scan3A_502, %mul3A_521 : i32
      %add3A_523 = arith.constant 16 : i32
      %add3A_524 = arith.addi %mul3A_522, %add3A_523 : i32
      %get3A_525 = arith.constant 2 : i32
      %get3A_526 = arith.index_cast %get3A_525 : i32 to index
      %get3A_527 = arith.index_cast %add3A_524 : i32 to index
      %get3A_528 = tpu.vector_load %arg6[%get3A_526, %get3A_527] {strides = array<i32>} : memref<4x1024xf32, #tpu.memory_space<vmem>>, vector<16xf32>,
      %gt3A_529 = arith.cmpf ogt, %get3A_528, %gather3A_401 : vector<16xf32>
      %select_n3A_530 = arith.select %gt3A_529, %broadcast_in_dim3A_219, %broadcast_in_dim3A_217 : vector<16xi1>, vector<16xi32>
      %add3A_531 = arith.addi %scan3A_504, %select_n3A_530 : vector<16xi32>
      %mul3A_532 = arith.constant 128 : i32
      %mul3A_533 = arith.muli %scan3A_502, %mul3A_532 : i32
      %add3A_534 = arith.constant 32 : i32
      %add3A_535 = arith.addi %mul3A_533, %add3A_534 : i32
      %get3A_536 = arith.constant 2 : i32
      %get3A_537 = arith.index_cast %get3A_536 : i32 to index
      %get3A_538 = arith.index_cast %add3A_535 : i32 to index
      %get3A_539 = tpu.vector_load %arg6[%get3A_537, %get3A_538] {strides = array<i32>} : memref<4x1024xf32, #tpu.memory_space<vmem>>, vector<16xf32>,
      %gt3A_540 = arith.cmpf ogt, %get3A_539, %gather3A_401 : vector<16xf32>
      %select_n3A_541 = arith.select %gt3A_540, %broadcast_in_dim3A_219, %broadcast_in_dim3A_217 : vector<16xi1>, vector<16xi32>
      %add3A_542 = arith.addi %scan3A_505, %select_n3A_541 : vector<16xi32>
      %mul3A_543 = arith.constant 128 : i32
      %mul3A_544 = arith.muli %scan3A_502, %mul3A_543 : i32
      %add3A_545 = arith.constant 48 : i32
      %add3A_546 = arith.addi %mul3A_544, %add3A_545 : i32
      %get3A_547 = arith.constant 2 : i32
      %get3A_548 = arith.index_cast %get3A_547 : i32 to index
      %get3A_549 = arith.index_cast %add3A_546 : i32 to index
      %get3A_550 = tpu.vector_load %arg6[%get3A_548, %get3A_549] {strides = array<i32>} : memref<4x1024xf32, #tpu.memory_space<vmem>>, vector<16xf32>,
      %gt3A_551 = arith.cmpf ogt, %get3A_550, %gather3A_401 : vector<16xf32>
      %select_n3A_552 = arith.select %gt3A_551, %broadcast_in_dim3A_219, %broadcast_in_dim3A_217 : vector<16xi1>, vector<16xi32>
      %add3A_553 = arith.addi %scan3A_506, %select_n3A_552 : vector<16xi32>
      %mul3A_554 = arith.constant 128 : i32
      %mul3A_555 = arith.muli %scan3A_502, %mul3A_554 : i32
      %add3A_556 = arith.constant 64 : i32
      %add3A_557 = arith.addi %mul3A_555, %add3A_556 : i32
      %get3A_558 = arith.constant 2 : i32
      %get3A_559 = arith.index_cast %get3A_558 : i32 to index
      %get3A_560 = arith.index_cast %add3A_557 : i32 to index
      %get3A_561 = tpu.vector_load %arg6[%get3A_559, %get3A_560] {strides = array<i32>} : memref<4x1024xf32, #tpu.memory_space<vmem>>, vector<16xf32>,
      %gt3A_562 = arith.cmpf ogt, %get3A_561, %gather3A_401 : vector<16xf32>
      %select_n3A_563 = arith.select %gt3A_562, %broadcast_in_dim3A_219, %broadcast_in_dim3A_217 : vector<16xi1>, vector<16xi32>
      %add3A_564 = arith.addi %scan3A_507, %select_n3A_563 : vector<16xi32>
      %mul3A_565 = arith.constant 128 : i32
      %mul3A_566 = arith.muli %scan3A_502, %mul3A_565 : i32
      %add3A_567 = arith.constant 80 : i32
      %add3A_568 = arith.addi %mul3A_566, %add3A_567 : i32
      %get3A_569 = arith.constant 2 : i32
      %get3A_570 = arith.index_cast %get3A_569 : i32 to index
      %get3A_571 = arith.index_cast %add3A_568 : i32 to index
      %get3A_572 = tpu.vector_load %arg6[%get3A_570, %get3A_571] {strides = array<i32>} : memref<4x1024xf32, #tpu.memory_space<vmem>>, vector<16xf32>,
      %gt3A_573 = arith.cmpf ogt, %get3A_572, %gather3A_401 : vector<16xf32>
      %select_n3A_574 = arith.select %gt3A_573, %broadcast_in_dim3A_219, %broadcast_in_dim3A_217 : vector<16xi1>, vector<16xi32>
      %add3A_575 = arith.addi %scan3A_508, %select_n3A_574 : vector<16xi32>
      %mul3A_576 = arith.constant 128 : i32
      %mul3A_577 = arith.muli %scan3A_502, %mul3A_576 : i32
      %add3A_578 = arith.constant 96 : i32
      %add3A_579 = arith.addi %mul3A_577, %add3A_578 : i32
      %get3A_580 = arith.constant 2 : i32
      %get3A_581 = arith.index_cast %get3A_580 : i32 to index
      %get3A_582 = arith.index_cast %add3A_579 : i32 to index
      %get3A_583 = tpu.vector_load %arg6[%get3A_581, %get3A_582] {strides = array<i32>} : memref<4x1024xf32, #tpu.memory_space<vmem>>, vector<16xf32>,
      %gt3A_584 = arith.cmpf ogt, %get3A_583, %gather3A_401 : vector<16xf32>
      %select_n3A_585 = arith.select %gt3A_584, %broadcast_in_dim3A_219, %broadcast_in_dim3A_217 : vector<16xi1>, vector<16xi32>
      %add3A_586 = arith.addi %scan3A_509, %select_n3A_585 : vector<16xi32>
      %mul3A_587 = arith.constant 128 : i32
      %mul3A_588 = arith.muli %scan3A_502, %mul3A_587 : i32
      %add3A_589 = arith.constant 112 : i32
      %add3A_590 = arith.addi %mul3A_588, %add3A_589 : i32
      %get3A_591 = arith.constant 2 : i32
      %get3A_592 = arith.index_cast %get3A_591 : i32 to index
      %get3A_593 = arith.index_cast %add3A_590 : i32 to index
      %get3A_594 = tpu.vector_load %arg6[%get3A_592, %get3A_593] {strides = array<i32>} : memref<4x1024xf32, #tpu.memory_space<vmem>>, vector<16xf32>,
      %gt3A_595 = arith.cmpf ogt, %get3A_594, %gather3A_401 : vector<16xf32>
      %select_n3A_596 = arith.select %gt3A_595, %broadcast_in_dim3A_219, %broadcast_in_dim3A_217 : vector<16xi1>, vector<16xi32>
      %add3A_597 = arith.addi %scan3A_510, %select_n3A_596 : vector<16xi32>
      scf.yield %add3A_520, %add3A_531, %add3A_542, %add3A_553, %add3A_564, %add3A_575, %add3A_586, %add3A_597 : vector<16xi32>, vector<16xi32>, vector<16xi32>, vector<16xi32>, vector<16xi32>, vector<16xi32>, vector<16xi32>, vector<16xi32>
    }
    %scan3A_407 = arith.constant 8 : i32
    %add3A_408 = arith.addi %scan3A_406#0, %scan3A_406#1 : vector<16xi32>
    %add3A_409 = arith.addi %add3A_408, %scan3A_406#2 : vector<16xi32>
    %add3A_410 = arith.addi %add3A_409, %scan3A_406#3 : vector<16xi32>
    %add3A_411 = arith.addi %add3A_410, %scan3A_406#4 : vector<16xi32>
    %add3A_412 = arith.addi %add3A_411, %scan3A_406#5 : vector<16xi32>
    %add3A_413 = arith.addi %add3A_412, %scan3A_406#6 : vector<16xi32>
    %add3A_414 = arith.addi %add3A_413, %scan3A_406#7 : vector<16xi32>
    %reduce_sum3A_415 = arith.constant true
    %reduce_sum3A_416 = vector.broadcast %reduce_sum3A_415 : i1 to vector<16xi1>
    %reduce_sum3A_417 = tpu.scan <sum>, %add3A_414 masked %reduce_sum3A_416 : vector<16xi32>, vector<16xi1> -> vector<16xi32>
    %reduce_sum3A_418 = vector.extract %reduce_sum3A_417[15] : i32 from vector<16xi32>
    %ge3A_419 = arith.constant 5 : i32
    %ge3A_420 = arith.cmpi sge, %reduce_sum3A_418, %ge3A_419 : i32
    %convert_element_type3A_421 = arith.extui %ge3A_420 : i1 to i32
    %cond3A_422 = arith.constant 0 : i32
    %cond3A_423 = arith.cmpi ne, %convert_element_type3A_421, %cond3A_422 : i32
    %cond3A_424 = scf.if %cond3A_423 -> (f32) {
      %cond3A_502 = arith.constant 0.000000e+00 : f32
      scf.yield %cond3A_502 : f32
    } else {
      "tpu.region"() ({
        %run_scoped3A = tpu.sem_alloc : memref<!tpu.dma_semaphore, #tpu.memory_space<semaphore_mem>>
        %dma_start3A_516 = arith.constant 0 : i32
        %dma_start3A_517 = tpu.memref_slice %arg2[%add3A_358, %dma_start3A_516] : memref<128x32768xf32, #tpu.memory_space<hbm>> -> memref<1x32768xf32, #tpu.memory_space<hbm>>
        %dma_start3A_518 = tpu.memref_squeeze %dma_start3A_517 : memref<1x32768xf32, #tpu.memory_space<hbm>> -> memref<32768xf32, #tpu.memory_space<hbm>>
        %dma_start3A_519 = arith.constant 0 : i32
        %dma_start3A_520 = tpu.memref_slice %arg2[%add3A_358, %dma_start3A_519] : memref<128x32768xf32, #tpu.memory_space<hbm>> -> memref<1x32768xf32, #tpu.memory_space<hbm>>
        %dma_start3A_521 = tpu.memref_squeeze %dma_start3A_520 : memref<1x32768xf32, #tpu.memory_space<hbm>> -> memref<32768xf32, #tpu.memory_space<hbm>>
        tpu.enqueue_dma source(%dma_start3A_521 : memref<32768xf32, #tpu.memory_space<hbm>>) target(%arg7 : memref<32768xf32, #tpu.memory_space<vmem>>) target_semaphore(%run_scoped3A : memref<!tpu.dma_semaphore, #tpu.memory_space<semaphore_mem>>)
        %dma_wait3A_522 = arith.constant 0 : i32
        %dma_wait3A_523 = tpu.memref_slice %arg2[%add3A_358, %dma_wait3A_522] : memref<128x32768xf32, #tpu.memory_space<hbm>> -> memref<1x32768xf32, #tpu.memory_space<hbm>>
        %dma_wait3A_524 = tpu.memref_squeeze %dma_wait3A_523 : memref<1x32768xf32, #tpu.memory_space<hbm>> -> memref<32768xf32, #tpu.memory_space<hbm>>
        %dma_wait3A_525 = arith.constant 0 : i32
        %dma_wait3A_526 = tpu.memref_slice %arg2[%add3A_358, %dma_wait3A_525] : memref<128x32768xf32, #tpu.memory_space<hbm>> -> memref<1x32768xf32, #tpu.memory_space<hbm>>
        %dma_wait3A_527 = tpu.memref_squeeze %dma_wait3A_526 : memref<1x32768xf32, #tpu.memory_space<hbm>> -> memref<32768xf32, #tpu.memory_space<hbm>>
        tpu.wait_dma2 semaphore(%run_scoped3A : memref<!tpu.dma_semaphore, #tpu.memory_space<semaphore_mem>>) src(%dma_wait3A_527 : memref<32768xf32, #tpu.memory_space<hbm>>) dst(%arg7 : memref<32768xf32, #tpu.memory_space<vmem>>)
        tpu.yield
      }) : () -> ()
      %scan3A_502 = arith.constant 0 : i32
      %scan3A_503 = arith.constant 2048 : i32
      %scan3A_504 = arith.addi %scan3A_502, %scan3A_503 : i32
      %scan3A_505 = arith.constant 1 : i32
      %scan3A_506 = scf.for %scan3A_516 = %scan3A_502 to %scan3A_504 step %scan3A_505 iter_args(%scan3A_517 = %broadcast_in_dim3A_217) -> (vector<16xi32>)  : i32 {
        %mul3A_518 = arith.constant 16 : i32
        %mul3A_519 = arith.muli %scan3A_516, %mul3A_518 : i32
        %get3A_520 = arith.index_cast %mul3A_519 : i32 to index
        %get3A_521 = tpu.vector_load %arg7[%get3A_520] {strides = array<i32>} : memref<32768xf32, #tpu.memory_space<vmem>>, vector<16xf32>,
        %mul3A_522 = arith.constant 16 : i32
        %mul3A_523 = arith.muli %scan3A_516, %mul3A_522 : i32
        %add3A_524 = vector.broadcast %mul3A_523 : i32 to vector<16xi32>
        %add3A_525 = arith.addi %iota3A, %add3A_524 : vector<16xi32>
        %gt3A = arith.cmpf ogt, %get3A_521, %gather3A_401 : vector<16xf32>
        %eq3A_526 = arith.cmpf oeq, %get3A_521, %gather3A_401 : vector<16xf32>
        %lt3A_527 = arith.cmpi slt, %add3A_525, %broadcast_in_dim3A_359 : vector<16xi32>
        %and3A_528 = arith.andi %eq3A_526, %lt3A_527 : vector<16xi1>
        %or3A = arith.ori %gt3A, %and3A_528 : vector<16xi1>
        %select_n3A_529 = arith.select %or3A, %broadcast_in_dim3A_219, %broadcast_in_dim3A_217 : vector<16xi1>, vector<16xi32>
        %add3A_530 = arith.addi %scan3A_517, %select_n3A_529 : vector<16xi32>
        scf.yield %add3A_530 : vector<16xi32>
      }
      %scan3A_507 = arith.constant 2048 : i32
      %reduce_sum3A_508 = arith.constant true
      %reduce_sum3A_509 = vector.broadcast %reduce_sum3A_508 : i1 to vector<16xi1>
      %reduce_sum3A_510 = tpu.scan <sum>, %scan3A_506 masked %reduce_sum3A_509 : vector<16xi32>, vector<16xi1> -> vector<16xi32>
      %reduce_sum3A_511 = vector.extract %reduce_sum3A_510[15] : i32 from vector<16xi32>
      %lt3A = arith.constant 5 : i32
      %lt3A_512 = arith.cmpi slt, %reduce_sum3A_511, %lt3A : i32
      %jit3A_513 = arith.constant 1.000000e+00 : f32
      %jit3A_514 = arith.constant 0.000000e+00 : f32
      %select_n3A_515 = arith.select %lt3A_512, %jit3A_513, %jit3A_514 : f32
      scf.yield %select_n3A_515 : f32
    }
    %add3A_425 = arith.addf %add3A_356, %cond3A_424 : f32
    %add3A_426 = arith.constant 3 : i32
    %add3A_427 = arith.addi %mul3A_2, %add3A_426 : i32
    %broadcast_in_dim3A_428 = vector.broadcast %squeeze3A_177 : i32 to vector<16xi32>
    %dma_wait3A_429 = arith.constant 3 : i32
    %dma_wait3A_430 = arith.constant 0 : i32
    %dma_wait3A_431 = tpu.memref_slice %arg8[%dma_wait3A_429, %dma_wait3A_430] : memref<4x16xf32, #tpu.memory_space<vmem>> -> memref<1x16xf32, #tpu.memory_space<vmem>>
    %dma_wait3A_432 = tpu.memref_squeeze %dma_wait3A_431 : memref<1x16xf32, #tpu.memory_space<vmem>> -> memref<16xf32, #tpu.memory_space<vmem>>
    %dma_wait3A_433 = tpu.memref_slice %arg2[%add3A_205, %mul3A_203] : memref<128x32768xf32, #tpu.memory_space<hbm>> -> memref<1x16xf32, #tpu.memory_space<hbm>>
    %dma_wait3A_434 = tpu.memref_squeeze %dma_wait3A_433 : memref<1x16xf32, #tpu.memory_space<hbm>> -> memref<16xf32, #tpu.memory_space<hbm>>
    %dma_wait3A_435 = arith.constant 0 : i32
    %dma_wait3A_436 = tpu.memref_slice %arg8[%dma_wait3A_429, %dma_wait3A_435] : memref<4x16xf32, #tpu.memory_space<vmem>> -> memref<1x16xf32, #tpu.memory_space<vmem>>
    %dma_wait3A_437 = tpu.memref_squeeze %dma_wait3A_436 : memref<1x16xf32, #tpu.memory_space<vmem>> -> memref<16xf32, #tpu.memory_space<vmem>>
    %dma_wait3A_438 = tpu.memref_slice %arg2[%add3A_205, %mul3A_203] : memref<128x32768xf32, #tpu.memory_space<hbm>> -> memref<1x16xf32, #tpu.memory_space<hbm>>
    %dma_wait3A_439 = tpu.memref_squeeze %dma_wait3A_438 : memref<1x16xf32, #tpu.memory_space<hbm>> -> memref<16xf32, #tpu.memory_space<hbm>>
    tpu.wait_dma2 semaphore(%arg15 : memref<!tpu.dma_semaphore, #tpu.memory_space<semaphore_mem>>) src(%dma_wait3A_439 : memref<16xf32, #tpu.memory_space<hbm>>) dst(%dma_wait3A_437 : memref<16xf32, #tpu.memory_space<vmem>>)
    %broadcast_in_dim3A_440 = arith.constant 3 : i32
    %broadcast_in_dim3A_441 = vector.broadcast %broadcast_in_dim3A_440 : i32 to vector<16xi32>
    %jit3A_442 = arith.constant 16 : i32
    %div3A_443 = arith.divsi %squeeze3A_177, %jit3A_442 : i32
    %sign3A_444 = arith.constant 0 : i32
    %sign3A_445 = arith.cmpi sgt, %squeeze3A_177, %sign3A_444 : i32
    %sign3A_446 = arith.extui %sign3A_445 : i1 to i32
    %sign3A_447 = arith.constant 0 : i32
    %sign3A_448 = arith.cmpi slt, %squeeze3A_177, %sign3A_447 : i32
    %sign3A_449 = arith.extui %sign3A_448 : i1 to i32
    %sign3A_450 = arith.subi %sign3A_446, %sign3A_449 : i32
    %sign3A_451 = arith.constant 0 : i32
    %sign3A_452 = arith.cmpi sgt, %jit3A_442, %sign3A_451 : i32
    %sign3A_453 = arith.extui %sign3A_452 : i1 to i32
    %sign3A_454 = arith.constant 0 : i32
    %sign3A_455 = arith.cmpi slt, %jit3A_442, %sign3A_454 : i32
    %sign3A_456 = arith.extui %sign3A_455 : i1 to i32
    %sign3A_457 = arith.subi %sign3A_453, %sign3A_456 : i32
    %ne3A_458 = arith.cmpi ne, %sign3A_450, %sign3A_457 : i32
    %rem3A_459 = arith.remsi %squeeze3A_177, %jit3A_442 : i32
    %ne3A_460 = arith.constant 0 : i32
    %ne3A_461 = arith.cmpi ne, %rem3A_459, %ne3A_460 : i32
    %and3A_462 = arith.andi %ne3A_458, %ne3A_461 : i1
    %sub3A_463 = arith.constant 1 : i32
    %sub3A_464 = arith.subi %div3A_443, %sub3A_463 : i32
    %select_n3A_465 = arith.select %and3A_462, %sub3A_464, %div3A_443 : i32
    %mul3A_466 = arith.constant 16 : i32
    %mul3A_467 = arith.muli %select_n3A_465, %mul3A_466 : i32
    %sub3A_468 = vector.broadcast %mul3A_467 : i32 to vector<16xi32>
    %sub3A_469 = arith.subi %broadcast_in_dim3A_428, %sub3A_468 : vector<16xi32>
    %gather3A_470 = tpu.vector_load_idx %arg8[%broadcast_in_dim3A_441, %sub3A_469] : memref<4x16xf32, #tpu.memory_space<vmem>>[vector<16xi32>, vector<16xi32>], vector<16xf32>,
    %scan3A_471 = arith.constant 0 : i32
    %scan3A_472 = arith.constant 8 : i32
    %scan3A_473 = arith.addi %scan3A_471, %scan3A_472 : i32
    %scan3A_474 = arith.constant 1 : i32
    %scan3A_475:8 = scf.for %scan3A_502 = %scan3A_471 to %scan3A_473 step %scan3A_474 iter_args(%scan3A_503 = %broadcast_in_dim3A_217, %scan3A_504 = %broadcast_in_dim3A_217, %scan3A_505 = %broadcast_in_dim3A_217, %scan3A_506 = %broadcast_in_dim3A_217, %scan3A_507 = %broadcast_in_dim3A_217, %scan3A_508 = %broadcast_in_dim3A_217, %scan3A_509 = %broadcast_in_dim3A_217, %scan3A_510 = %broadcast_in_dim3A_217) -> (vector<16xi32>, vector<16xi32>, vector<16xi32>, vector<16xi32>, vector<16xi32>, vector<16xi32>, vector<16xi32>, vector<16xi32>)  : i32 {
      %mul3A_511 = arith.constant 128 : i32
      %mul3A_512 = arith.muli %scan3A_502, %mul3A_511 : i32
      %add3A_513 = arith.constant 0 : i32
      %add3A_514 = arith.addi %mul3A_512, %add3A_513 : i32
      %get3A_515 = arith.constant 3 : i32
      %get3A_516 = arith.index_cast %get3A_515 : i32 to index
      %get3A_517 = arith.index_cast %add3A_514 : i32 to index
      %get3A_518 = tpu.vector_load %arg6[%get3A_516, %get3A_517] {strides = array<i32>} : memref<4x1024xf32, #tpu.memory_space<vmem>>, vector<16xf32>,
      %gt3A = arith.cmpf ogt, %get3A_518, %gather3A_470 : vector<16xf32>
      %select_n3A_519 = arith.select %gt3A, %broadcast_in_dim3A_219, %broadcast_in_dim3A_217 : vector<16xi1>, vector<16xi32>
      %add3A_520 = arith.addi %scan3A_503, %select_n3A_519 : vector<16xi32>
      %mul3A_521 = arith.constant 128 : i32
      %mul3A_522 = arith.muli %scan3A_502, %mul3A_521 : i32
      %add3A_523 = arith.constant 16 : i32
      %add3A_524 = arith.addi %mul3A_522, %add3A_523 : i32
      %get3A_525 = arith.constant 3 : i32
      %get3A_526 = arith.index_cast %get3A_525 : i32 to index
      %get3A_527 = arith.index_cast %add3A_524 : i32 to index
      %get3A_528 = tpu.vector_load %arg6[%get3A_526, %get3A_527] {strides = array<i32>} : memref<4x1024xf32, #tpu.memory_space<vmem>>, vector<16xf32>,
      %gt3A_529 = arith.cmpf ogt, %get3A_528, %gather3A_470 : vector<16xf32>
      %select_n3A_530 = arith.select %gt3A_529, %broadcast_in_dim3A_219, %broadcast_in_dim3A_217 : vector<16xi1>, vector<16xi32>
      %add3A_531 = arith.addi %scan3A_504, %select_n3A_530 : vector<16xi32>
      %mul3A_532 = arith.constant 128 : i32
      %mul3A_533 = arith.muli %scan3A_502, %mul3A_532 : i32
      %add3A_534 = arith.constant 32 : i32
      %add3A_535 = arith.addi %mul3A_533, %add3A_534 : i32
      %get3A_536 = arith.constant 3 : i32
      %get3A_537 = arith.index_cast %get3A_536 : i32 to index
      %get3A_538 = arith.index_cast %add3A_535 : i32 to index
      %get3A_539 = tpu.vector_load %arg6[%get3A_537, %get3A_538] {strides = array<i32>} : memref<4x1024xf32, #tpu.memory_space<vmem>>, vector<16xf32>,
      %gt3A_540 = arith.cmpf ogt, %get3A_539, %gather3A_470 : vector<16xf32>
      %select_n3A_541 = arith.select %gt3A_540, %broadcast_in_dim3A_219, %broadcast_in_dim3A_217 : vector<16xi1>, vector<16xi32>
      %add3A_542 = arith.addi %scan3A_505, %select_n3A_541 : vector<16xi32>
      %mul3A_543 = arith.constant 128 : i32
      %mul3A_544 = arith.muli %scan3A_502, %mul3A_543 : i32
      %add3A_545 = arith.constant 48 : i32
      %add3A_546 = arith.addi %mul3A_544, %add3A_545 : i32
      %get3A_547 = arith.constant 3 : i32
      %get3A_548 = arith.index_cast %get3A_547 : i32 to index
      %get3A_549 = arith.index_cast %add3A_546 : i32 to index
      %get3A_550 = tpu.vector_load %arg6[%get3A_548, %get3A_549] {strides = array<i32>} : memref<4x1024xf32, #tpu.memory_space<vmem>>, vector<16xf32>,
      %gt3A_551 = arith.cmpf ogt, %get3A_550, %gather3A_470 : vector<16xf32>
      %select_n3A_552 = arith.select %gt3A_551, %broadcast_in_dim3A_219, %broadcast_in_dim3A_217 : vector<16xi1>, vector<16xi32>
      %add3A_553 = arith.addi %scan3A_506, %select_n3A_552 : vector<16xi32>
      %mul3A_554 = arith.constant 128 : i32
      %mul3A_555 = arith.muli %scan3A_502, %mul3A_554 : i32
      %add3A_556 = arith.constant 64 : i32
      %add3A_557 = arith.addi %mul3A_555, %add3A_556 : i32
      %get3A_558 = arith.constant 3 : i32
      %get3A_559 = arith.index_cast %get3A_558 : i32 to index
      %get3A_560 = arith.index_cast %add3A_557 : i32 to index
      %get3A_561 = tpu.vector_load %arg6[%get3A_559, %get3A_560] {strides = array<i32>} : memref<4x1024xf32, #tpu.memory_space<vmem>>, vector<16xf32>,
      %gt3A_562 = arith.cmpf ogt, %get3A_561, %gather3A_470 : vector<16xf32>
      %select_n3A_563 = arith.select %gt3A_562, %broadcast_in_dim3A_219, %broadcast_in_dim3A_217 : vector<16xi1>, vector<16xi32>
      %add3A_564 = arith.addi %scan3A_507, %select_n3A_563 : vector<16xi32>
      %mul3A_565 = arith.constant 128 : i32
      %mul3A_566 = arith.muli %scan3A_502, %mul3A_565 : i32
      %add3A_567 = arith.constant 80 : i32
      %add3A_568 = arith.addi %mul3A_566, %add3A_567 : i32
      %get3A_569 = arith.constant 3 : i32
      %get3A_570 = arith.index_cast %get3A_569 : i32 to index
      %get3A_571 = arith.index_cast %add3A_568 : i32 to index
      %get3A_572 = tpu.vector_load %arg6[%get3A_570, %get3A_571] {strides = array<i32>} : memref<4x1024xf32, #tpu.memory_space<vmem>>, vector<16xf32>,
      %gt3A_573 = arith.cmpf ogt, %get3A_572, %gather3A_470 : vector<16xf32>
      %select_n3A_574 = arith.select %gt3A_573, %broadcast_in_dim3A_219, %broadcast_in_dim3A_217 : vector<16xi1>, vector<16xi32>
      %add3A_575 = arith.addi %scan3A_508, %select_n3A_574 : vector<16xi32>
      %mul3A_576 = arith.constant 128 : i32
      %mul3A_577 = arith.muli %scan3A_502, %mul3A_576 : i32
      %add3A_578 = arith.constant 96 : i32
      %add3A_579 = arith.addi %mul3A_577, %add3A_578 : i32
      %get3A_580 = arith.constant 3 : i32
      %get3A_581 = arith.index_cast %get3A_580 : i32 to index
      %get3A_582 = arith.index_cast %add3A_579 : i32 to index
      %get3A_583 = tpu.vector_load %arg6[%get3A_581, %get3A_582] {strides = array<i32>} : memref<4x1024xf32, #tpu.memory_space<vmem>>, vector<16xf32>,
      %gt3A_584 = arith.cmpf ogt, %get3A_583, %gather3A_470 : vector<16xf32>
      %select_n3A_585 = arith.select %gt3A_584, %broadcast_in_dim3A_219, %broadcast_in_dim3A_217 : vector<16xi1>, vector<16xi32>
      %add3A_586 = arith.addi %scan3A_509, %select_n3A_585 : vector<16xi32>
      %mul3A_587 = arith.constant 128 : i32
      %mul3A_588 = arith.muli %scan3A_502, %mul3A_587 : i32
      %add3A_589 = arith.constant 112 : i32
      %add3A_590 = arith.addi %mul3A_588, %add3A_589 : i32
      %get3A_591 = arith.constant 3 : i32
      %get3A_592 = arith.index_cast %get3A_591 : i32 to index
      %get3A_593 = arith.index_cast %add3A_590 : i32 to index
      %get3A_594 = tpu.vector_load %arg6[%get3A_592, %get3A_593] {strides = array<i32>} : memref<4x1024xf32, #tpu.memory_space<vmem>>, vector<16xf32>,
      %gt3A_595 = arith.cmpf ogt, %get3A_594, %gather3A_470 : vector<16xf32>
      %select_n3A_596 = arith.select %gt3A_595, %broadcast_in_dim3A_219, %broadcast_in_dim3A_217 : vector<16xi1>, vector<16xi32>
      %add3A_597 = arith.addi %scan3A_510, %select_n3A_596 : vector<16xi32>
      scf.yield %add3A_520, %add3A_531, %add3A_542, %add3A_553, %add3A_564, %add3A_575, %add3A_586, %add3A_597 : vector<16xi32>, vector<16xi32>, vector<16xi32>, vector<16xi32>, vector<16xi32>, vector<16xi32>, vector<16xi32>, vector<16xi32>
    }
    %scan3A_476 = arith.constant 8 : i32
    %add3A_477 = arith.addi %scan3A_475#0, %scan3A_475#1 : vector<16xi32>
    %add3A_478 = arith.addi %add3A_477, %scan3A_475#2 : vector<16xi32>
    %add3A_479 = arith.addi %add3A_478, %scan3A_475#3 : vector<16xi32>
    %add3A_480 = arith.addi %add3A_479, %scan3A_475#4 : vector<16xi32>
    %add3A_481 = arith.addi %add3A_480, %scan3A_475#5 : vector<16xi32>
    %add3A_482 = arith.addi %add3A_481, %scan3A_475#6 : vector<16xi32>
    %add3A_483 = arith.addi %add3A_482, %scan3A_475#7 : vector<16xi32>
    %reduce_sum3A_484 = arith.constant true
    %reduce_sum3A_485 = vector.broadcast %reduce_sum3A_484 : i1 to vector<16xi1>
    %reduce_sum3A_486 = tpu.scan <sum>, %add3A_483 masked %reduce_sum3A_485 : vector<16xi32>, vector<16xi1> -> vector<16xi32>
    %reduce_sum3A_487 = vector.extract %reduce_sum3A_486[15] : i32 from vector<16xi32>
    %ge3A_488 = arith.constant 5 : i32
    %ge3A_489 = arith.cmpi sge, %reduce_sum3A_487, %ge3A_488 : i32
    %convert_element_type3A_490 = arith.extui %ge3A_489 : i1 to i32
    %cond3A_491 = arith.constant 0 : i32
    %cond3A_492 = arith.cmpi ne, %convert_element_type3A_490, %cond3A_491 : i32
    %cond3A_493 = scf.if %cond3A_492 -> (f32) {
      %cond3A_502 = arith.constant 0.000000e+00 : f32
      scf.yield %cond3A_502 : f32
    } else {
      "tpu.region"() ({
        %run_scoped3A = tpu.sem_alloc : memref<!tpu.dma_semaphore, #tpu.memory_space<semaphore_mem>>
        %dma_start3A_516 = arith.constant 0 : i32
        %dma_start3A_517 = tpu.memref_slice %arg2[%add3A_427, %dma_start3A_516] : memref<128x32768xf32, #tpu.memory_space<hbm>> -> memref<1x32768xf32, #tpu.memory_space<hbm>>
        %dma_start3A_518 = tpu.memref_squeeze %dma_start3A_517 : memref<1x32768xf32, #tpu.memory_space<hbm>> -> memref<32768xf32, #tpu.memory_space<hbm>>
        %dma_start3A_519 = arith.constant 0 : i32
        %dma_start3A_520 = tpu.memref_slice %arg2[%add3A_427, %dma_start3A_519] : memref<128x32768xf32, #tpu.memory_space<hbm>> -> memref<1x32768xf32, #tpu.memory_space<hbm>>
        %dma_start3A_521 = tpu.memref_squeeze %dma_start3A_520 : memref<1x32768xf32, #tpu.memory_space<hbm>> -> memref<32768xf32, #tpu.memory_space<hbm>>
        tpu.enqueue_dma source(%dma_start3A_521 : memref<32768xf32, #tpu.memory_space<hbm>>) target(%arg7 : memref<32768xf32, #tpu.memory_space<vmem>>) target_semaphore(%run_scoped3A : memref<!tpu.dma_semaphore, #tpu.memory_space<semaphore_mem>>)
        %dma_wait3A_522 = arith.constant 0 : i32
        %dma_wait3A_523 = tpu.memref_slice %arg2[%add3A_427, %dma_wait3A_522] : memref<128x32768xf32, #tpu.memory_space<hbm>> -> memref<1x32768xf32, #tpu.memory_space<hbm>>
        %dma_wait3A_524 = tpu.memref_squeeze %dma_wait3A_523 : memref<1x32768xf32, #tpu.memory_space<hbm>> -> memref<32768xf32, #tpu.memory_space<hbm>>
        %dma_wait3A_525 = arith.constant 0 : i32
        %dma_wait3A_526 = tpu.memref_slice %arg2[%add3A_427, %dma_wait3A_525] : memref<128x32768xf32, #tpu.memory_space<hbm>> -> memref<1x32768xf32, #tpu.memory_space<hbm>>
        %dma_wait3A_527 = tpu.memref_squeeze %dma_wait3A_526 : memref<1x32768xf32, #tpu.memory_space<hbm>> -> memref<32768xf32, #tpu.memory_space<hbm>>
        tpu.wait_dma2 semaphore(%run_scoped3A : memref<!tpu.dma_semaphore, #tpu.memory_space<semaphore_mem>>) src(%dma_wait3A_527 : memref<32768xf32, #tpu.memory_space<hbm>>) dst(%arg7 : memref<32768xf32, #tpu.memory_space<vmem>>)
        tpu.yield
      }) : () -> ()
      %scan3A_502 = arith.constant 0 : i32
      %scan3A_503 = arith.constant 2048 : i32
      %scan3A_504 = arith.addi %scan3A_502, %scan3A_503 : i32
      %scan3A_505 = arith.constant 1 : i32
      %scan3A_506 = scf.for %scan3A_516 = %scan3A_502 to %scan3A_504 step %scan3A_505 iter_args(%scan3A_517 = %broadcast_in_dim3A_217) -> (vector<16xi32>)  : i32 {
        %mul3A_518 = arith.constant 16 : i32
        %mul3A_519 = arith.muli %scan3A_516, %mul3A_518 : i32
        %get3A_520 = arith.index_cast %mul3A_519 : i32 to index
        %get3A_521 = tpu.vector_load %arg7[%get3A_520] {strides = array<i32>} : memref<32768xf32, #tpu.memory_space<vmem>>, vector<16xf32>,
        %mul3A_522 = arith.constant 16 : i32
        %mul3A_523 = arith.muli %scan3A_516, %mul3A_522 : i32
        %add3A_524 = vector.broadcast %mul3A_523 : i32 to vector<16xi32>
        %add3A_525 = arith.addi %iota3A, %add3A_524 : vector<16xi32>
        %gt3A = arith.cmpf ogt, %get3A_521, %gather3A_470 : vector<16xf32>
        %eq3A_526 = arith.cmpf oeq, %get3A_521, %gather3A_470 : vector<16xf32>
        %lt3A_527 = arith.cmpi slt, %add3A_525, %broadcast_in_dim3A_428 : vector<16xi32>
        %and3A_528 = arith.andi %eq3A_526, %lt3A_527 : vector<16xi1>
        %or3A = arith.ori %gt3A, %and3A_528 : vector<16xi1>
        %select_n3A_529 = arith.select %or3A, %broadcast_in_dim3A_219, %broadcast_in_dim3A_217 : vector<16xi1>, vector<16xi32>
        %add3A_530 = arith.addi %scan3A_517, %select_n3A_529 : vector<16xi32>
        scf.yield %add3A_530 : vector<16xi32>
      }
      %scan3A_507 = arith.constant 2048 : i32
      %reduce_sum3A_508 = arith.constant true
      %reduce_sum3A_509 = vector.broadcast %reduce_sum3A_508 : i1 to vector<16xi1>
      %reduce_sum3A_510 = tpu.scan <sum>, %scan3A_506 masked %reduce_sum3A_509 : vector<16xi32>, vector<16xi1> -> vector<16xi32>
      %reduce_sum3A_511 = vector.extract %reduce_sum3A_510[15] : i32 from vector<16xi32>
      %lt3A = arith.constant 5 : i32
      %lt3A_512 = arith.cmpi slt, %reduce_sum3A_511, %lt3A : i32
      %jit3A_513 = arith.constant 1.000000e+00 : f32
      %jit3A_514 = arith.constant 0.000000e+00 : f32
      %select_n3A_515 = arith.select %lt3A_512, %jit3A_513, %jit3A_514 : f32
      scf.yield %select_n3A_515 : f32
    }
    %add3A_494 = arith.addf %add3A_425, %cond3A_493 : f32
    %eq3A = arith.constant 0 : i32
    %eq3A_495 = vector.broadcast %eq3A : i32 to vector<16xi32>
    %eq3A_496 = arith.cmpi eq, %iota3A, %eq3A_495 : vector<16xi32>
    %jit3A_497 = arith.constant 0.000000e+00 : f32
    %broadcast_in_dim3A_498 = vector.broadcast %add3A_494 : f32 to vector<16xf32>
    %broadcast_in_dim3A_499 = vector.broadcast %jit3A_497 : f32 to vector<16xf32>
    %select_n3A_500 = arith.select %eq3A_496, %broadcast_in_dim3A_498, %broadcast_in_dim3A_499 : vector<16xi1>, vector<16xf32>
    %swap3A = arith.constant 0 : index
    %swap3A_501 = tpu.vector_load %arg9[%swap3A] {strides = array<i32>} : memref<16xf32, #tpu.memory_space<vmem>>, vector<16xf32>,
    tpu.vector_store %arg9[%swap3A], %select_n3A_500 {strides = array<i32>} : memref<16xf32, #tpu.memory_space<vmem>>, vector<16xf32>,
    "tpu.region"() ({
      %run_scoped3A = tpu.sem_alloc : memref<!tpu.dma_semaphore, #tpu.memory_space<semaphore_mem>>
      %dma_start3A_502 = arith.constant 0 : i32
      %dma_start3A_503 = tpu.memref_slice %arg4[%add3A, %dma_start3A_502] : memref<32x16xf32, #tpu.memory_space<hbm>> -> memref<1x16xf32, #tpu.memory_space<hbm>>
      %dma_start3A_504 = tpu.memref_squeeze %dma_start3A_503 : memref<1x16xf32, #tpu.memory_space<hbm>> -> memref<16xf32, #tpu.memory_space<hbm>>
      %dma_start3A_505 = arith.constant 0 : i32
      %dma_start3A_506 = tpu.memref_slice %arg4[%add3A, %dma_start3A_505] : memref<32x16xf32, #tpu.memory_space<hbm>> -> memref<1x16xf32, #tpu.memory_space<hbm>>
      %dma_start3A_507 = tpu.memref_squeeze %dma_start3A_506 : memref<1x16xf32, #tpu.memory_space<hbm>> -> memref<16xf32, #tpu.memory_space<hbm>>
      tpu.enqueue_dma source(%arg9 : memref<16xf32, #tpu.memory_space<vmem>>) target(%dma_start3A_507 : memref<16xf32, #tpu.memory_space<hbm>>) target_semaphore(%run_scoped3A : memref<!tpu.dma_semaphore, #tpu.memory_space<semaphore_mem>>)
      %dma_wait3A_508 = arith.constant 0 : i32
      %dma_wait3A_509 = tpu.memref_slice %arg4[%add3A, %dma_wait3A_508] : memref<32x16xf32, #tpu.memory_space<hbm>> -> memref<1x16xf32, #tpu.memory_space<hbm>>
      %dma_wait3A_510 = tpu.memref_squeeze %dma_wait3A_509 : memref<1x16xf32, #tpu.memory_space<hbm>> -> memref<16xf32, #tpu.memory_space<hbm>>
      %dma_wait3A_511 = arith.constant 0 : i32
      %dma_wait3A_512 = tpu.memref_slice %arg4[%add3A, %dma_wait3A_511] : memref<32x16xf32, #tpu.memory_space<hbm>> -> memref<1x16xf32, #tpu.memory_space<hbm>>
      %dma_wait3A_513 = tpu.memref_squeeze %dma_wait3A_512 : memref<1x16xf32, #tpu.memory_space<hbm>> -> memref<16xf32, #tpu.memory_space<hbm>>
      tpu.wait_dma2 semaphore(%run_scoped3A : memref<!tpu.dma_semaphore, #tpu.memory_space<semaphore_mem>>) src(%arg9 : memref<16xf32, #tpu.memory_space<vmem>>) dst(%dma_wait3A_513 : memref<16xf32, #tpu.memory_space<hbm>>)
      tpu.yield
    }) : () -> ()
    return
  }
}

</mosaic_0001>

<sc_bundles>
// kernel: kernel.3.cloned.1.call-start
scs
__scs_entry_jumppad:
0x0: {  	(pc) =	sbr.rel $0x88, $3  }
0x1: {  	(tag) =	ssettag $0x0;
	lr =	simm.s32 $0x1  }
0x2: {  	[smem:$0x3F9F] =	sst lr;
	_ =	strace $0xD0000000  }
0x3: {  	_ = 	snop  }
0x4: {  	_ = 	snop  }
0x5: {  	_ = 	snop  }
0x6: {  	_ = 	snop  }
0x7: {  	_ = 	snop  }
__scs_overlays_trampoline_lowered:
0x8: {  	[smem:$0x3FAE] =	sst s0  }
0x9: {  	[smem:$0x3FAF] =	sst s1  }
0xa: {  	[smem:$0x3FB0] =	sst s2  }
0xb: {  	[smem:$0x3FB1] =	sst s3  }
0xc: {  	[smem:$0x3FB2] =	sst s4  }
0xd: {  	[smem:$0x3FB3] =	sst s5  }
0xe: {  	[smem:$0x3FB4] =	sst s6  }
0xf: {  	[smem:$0x3FB5] =	sst s7  }
0x10: {  	[smem:$0x3FB6] =	sst s8  }
0x11: {  	[smem:$0x3FB7] =	sst s9;
	s0 =	simm.s32 @!p0 $0x0  }
0x12: {  	s1 =	sld [smem:$0x3F9D];
	s0 =	simm.s32 @p0 $0x1  }
0x13: {  	[smem:$0x3FB8] =	sst s0;
	s0 =	simm.s32 @!p1 $0x0  }
0x14: {  	s2 =	sld [smem:$0x3F9C];
	s0 =	simm.s32 @p1 $0x1  }
0x15: {  	[smem:$0x3FB9] =	sst s0;
	s0 =	simm.s32 @!p2 $0x0  }
0x16: {  	s3 =	sld [smem:$0x3FDB];
	s0 =	simm.s32 @p2 $0x1  }
0x17: {  	s4 =	simm.s32 $0x1BF5;
	[smem:$0x3FBB] =	sst s0  }
0x18: {  	s0 =	sld [smem:$0x3F9E];
	_ =	swait.ge [sflag:s4], $0x0  }
0x19: {  	s7 =	sld [smem:$0x3F9F]  }
0x1a: {  	s8 =	sadd.s32 $0xFFFFE003, lr  }
0x1b: {  	s9 =	sadd.s32 $0xFFFFFEF7, lr;
	s5 =	simm.s32 $0xFFFFFFFF;
	p2 =	slt.u32 s8, $0xFFFFF086  }
0x1c: {  	p1 =	slt.u32 s9, $0xF7A;
	s5 =	simm.s32 @!p2 $0x0  }
0x1d: {  	s5 =	simm.s32 @p1 $0x1;
	p0 =	seq.s32 s7, s2  }
0x1e: {  	s7 =	smul.u32 @!p0 $0xF7A, s2;
	p2 =	seq.s32 @!p0 s5, $0x0  }
0x1f: {  	s9 =	smul.u32 $0xF7A, s1;
	s8 =	simm.s32 @!p0 $0x1BF5;
	p2 =	por !p2, p0  }
0x20: {  	[sflag:s8] =	ssyncset.s32 @!p0 $0xFFFFF086;
	s6 =	sadd.s32 @!p0 s3, s7;
	s7 =	simm.s32 @!p0 $0x108  }
0x21: {  	s3 =	sadd.s32 s3, s9;
	s6 =	sadd.s32 @!p0 $0x88, s6;
	s7 =	simm.s32 @p2 $0x1082  }
0x22: {  	[simem:s7], [sflag:s8] =	dma.local @!p0 [hbm:s6], $0xF7A  }
0x23: {  	s9 =	sor.u32 $0xD0000000, s2;
	s6 =	simm.s32 $0x108;
	_ =	swait.ge @!p0 [sflag:s8], $0x0  }
0x24: {  	s3 =	sadd.s32 $0x88, s3;
	s6 =	simm.s32 @!p1 $0x1082;
	[sflag:s4] =	ssyncset.s32 $0xFFFFF086  }
0x25: {  	[simem:s6], [sflag:s4] =	dma.local [hbm:s3], $0xF7A  }
0x26: {  	[smem:$0x3F9F] =	sst s1;
	(tag) =	ssettag s2;
	_ =	strace s9  }
0x27: {  	s1 =	sld [smem:$0x3FAF]  }
0x28: {  	s2 =	sld [smem:$0x3FB0]  }
0x29: {  	s4 =	sld [smem:$0x3FB2]  }
0x2a: {  	p0 =	seq.s32 s5, $0x0;
	s5 =	sld [smem:$0x3FB3]  }
0x2b: {  	s6 =	sld [smem:$0x3FB4]  }
0x2c: {  	s7 =	sld [smem:$0x3FB5]  }
0x2d: {  	s3 =	simm.s32 $0x108;
	s8 =	sld [smem:$0x3FB6]  }
0x2e: {  	s3 =	simm.s32 @!p0 $0x1082;
	s9 =	sld [smem:$0x3FB7]  }
0x2f: {  	lr =	sadd.s32 s0, s3;
	s0 =	sld [smem:$0x3FAE]  }
0x30: {  	s3 =	sld [smem:$0x3FB1]  }
0x31: {  	[smem:$0x3FBA] =	sst s10  }
0x32: {  	s10 =	sld [smem:$0x3FB8];
	_ =	sdelay $0x3  }
0x33: {  	p0 =	seq.s32 s10, $0x1;
	s10 =	sld [smem:$0x3FBA];
	_ =	sdelay $0x3  }
0x34: {  	[smem:$0x3FBA] =	sst s10  }
0x35: {  	s10 =	sld [smem:$0x3FB9];
	_ =	sdelay $0x3  }
0x36: {  	p1 =	seq.s32 s10, $0x1;
	s10 =	sld [smem:$0x3FBA];
	_ =	sdelay $0x3  }
0x37: {  	[smem:$0x3FBA] =	sst s10  }
0x38: {  	s10 =	sld [smem:$0x3FBB]  }
0x39: {  	_ = 	snop;
	(pc) =	sbr.ind lr, $3  }
0x3a: {  	_ = 	snop  }
0x3b: {  	_ = 	snop  }
0x3c: {  	p2 =	seq.s32 s10, $0x1;
	s10 =	sld [smem:$0x3FBA]  }
0x3d: {  	_ =	shalt  }
0x3e: {  	_ =	shalt  }
0x3f: {  	_ =	shalt  }
0x40: {  	_ =	shalt  }
0x41: {  	_ =	shalt  }
0x42: {  	_ =	shalt  }
0x43: {  	_ =	shalt  }
0x44: {  	_ =	shalt  }
0x45: {  	_ =	shalt  }
0x46: {  	_ =	shalt  }
0x47: {  	_ =	shalt  }
0x48: {  	_ =	shalt  }
0x49: {  	_ =	shalt  }
0x4a: {  	_ =	shalt  }
0x4b: {  	_ =	shalt  }
0x4c: {  	_ =	shalt  }
0x4d: {  	_ =	shalt  }
0x4e: {  	_ =	shalt  }
0x4f: {  	_ =	shalt  }
0x50: {  	_ =	shalt  }
0x51: {  	_ =	shalt  }
0x52: {  	_ =	shalt  }
0x53: {  	_ =	shalt  }
0x54: {  	_ =	shalt  }
0x55: {  	_ =	shalt  }
0x56: {  	_ =	shalt  }
0x57: {  	_ =	shalt  }
0x58: {  	_ =	shalt  }
0x59: {  	_ =	shalt  }
0x5a: {  	_ =	shalt  }
0x5b: {  	_ =	shalt  }
0x5c: {  	_ =	shalt  }
0x5d: {  	_ =	shalt  }
0x5e: {  	_ =	shalt  }
0x5f: {  	_ =	shalt  }
0x60: {  	_ =	shalt  }
0x61: {  	_ =	shalt  }
0x62: {  	_ =	shalt  }
0x63: {  	_ =	shalt  }
0x64: {  	_ =	shalt  }
0x65: {  	_ =	shalt  }
0x66: {  	_ =	shalt  }
0x67: {  	_ =	shalt  }
0x68: {  	_ =	shalt  }
0x69: {  	_ =	shalt  }
0x6a: {  	_ =	shalt  }
0x6b: {  	_ =	shalt  }
0x6c: {  	_ =	shalt  }
0x6d: {  	_ =	shalt  }
0x6e: {  	_ =	shalt  }
0x6f: {  	_ =	shalt  }
0x70: {  	_ =	shalt  }
0x71: {  	_ =	shalt  }
0x72: {  	_ =	shalt  }
0x73: {  	_ =	shalt  }
0x74: {  	_ =	shalt  }
0x75: {  	_ =	shalt  }
0x76: {  	_ =	shalt  }
0x77: {  	_ =	shalt  }
0x78: {  	_ =	shalt  }
0x79: {  	_ =	shalt  }
0x7a: {  	_ =	shalt  }
0x7b: {  	_ =	shalt  }
0x7c: {  	_ =	shalt  }
0x7d: {  	_ =	shalt  }
0x7e: {  	_ =	shalt  }
0x7f: {  	_ =	shalt  }
0x80: {  	_ =	shalt  }
0x81: {  	_ =	shalt  }
0x82: {  	_ =	shalt  }
0x83: {  	_ =	shalt  }
0x84: {  	_ =	shalt  }
0x85: {  	_ =	shalt  }
0x86: {  	_ =	shalt  }
0x87: {  	_ =	shalt  }
.Lfunc_end0:
.L_simem_size_0:
called_computation_lowered:
.L_overlay_start_0:
0x88: {  	s2 =	sld [smem:$0x3FD9]  }
0x89: {  	s3 =	sld [smem:$0x3FFE];
	_ =	sdelay $0x1  }
0x8a: {  	s1 =	srdreg.scid  }
0x8b: {  	s0 =	sand.u32 $0x1, s1  }
0x8c: {  	s17 =	sshll.u32 s0, $0xA;
	s2 =	sadd.s32 s3, s2  }
0x8d: {  	s2 =	sadd.s32 s2, s17  }
0x8e: {  	[smem:$0x3FC6] =	sst s2  }
0x8f: {  	_ = 	snop  }
0x90: {  	s2 =	sld [smem:$0x3FC9]  }
0x91: {  	s18 =	sld [smem:$0x3FC8];
	(tm) =	ssettm $0x1  }
0x92: {  	s4 =	sld [smem:$0x3FFB];
	_ =	sdelay $0x3  }
0x93: {  	_ =	strace s4  }
0x94: {  	s4 =	sld [smem:$0x3FFC];
	_ =	sdelay $0x3  }
0x95: {  	_ =	strace s4  }
0x96: {  	s4 =	sld [smem:$0x3FFD];
	_ =	sdelay $0x3  }
0x97: {  	_ =	strace s4  }
0x98: {  	_ =	strace $0x8FFFFFFF  }
0x99: {  	s19 =	sld [smem:$0x3FDB];
	_ =	sdelay $0x1  }
0x9a: {  	s5 =	simm.s32 $_scs_section_size  }
0x9b: {  	s6 =	simm.s32 $_size__tile_overlayer_lowered;
	s7 =	simm.s32 $_tile_overlayer_lowered  }
0x9c: {  	s22 =	simm.s32 $0x1BFF;
	s21 =	sshll.u32 s7, $0x1;
	s4 =	sadd.s32 s5, s19  }
0x9d: {  	s8 =	simm.s32 $0x0;
	s20 =	sshll.u32 s6, $0x1;
	s6 =	sadd.s32 s21, s4  }
0x9e: {  	[timem:s8], [sflag:s22] =	dma.local [hbm:s6], s20  }
0x9f: {  	_ =	swait.ge [sflag:s22], s20  }
0xa0: {  	s5 =	ssub.s32 $0x0, s20;
	[sflag:s22] =	ssyncset.done $0x0  }
0xa1: {  	[sflag:s22] =	ssyncadd.s32 s5;
	_ =	sdelay $0x1  }
0xa2: {  	s23 =	simm.s32 $0x1B8B  }
0xa3: {  	_ =	swait.ge [sflag:s23], $0x1  }
0xa4: {  	[sflag:s23] =	ssyncset.done $0x0  }
0xa5: {  	s25 =	simm.s32 $0x1B8E;
	s24 =	sld [smem:$0x3FFE];
	[sflag:s23] =	ssyncadd.s32 $0xFFFFFFFF  }
0xa6: {  	s26 =	simm.s32 $execute0_lowered;
	[smem:$0x3FD2] =	sst s25  }
0xa7: {  	s6 =	sshll.u32 s26, $0x1;
	_ =	strace $0x80000046;
	[dreg:$0x1] =	wrdreg $0xFFFFFFFF  }
0xa8: {  	s28 =	simm.s32 $_size_execute0_lowered;
	s4 =	sadd.s32 s4, s6;
	[dreg:$0x0] =	wrdreg $0x0  }
0xa9: {  	s6 =	sshll.u32 s28, $0x1;
	[dreg:$0x2] =	wrdreg s4  }
0xaa: {  	[dreg:$0x3] =	wrdreg s6  }
0xab: {  	[dreg:$0x4] =	wrdreg $0xC0  }
0xac: {  	_ =	task [dreg:s8], $0x5FFFF  }
0xad: {  	[dreg:$0x1] =	wrdreg $0xFFFFFFFF  }
0xae: {  	[dreg:$0x0] =	wrdreg $0x60  }
0xaf: {  	[dreg:$0x2] =	wrdreg s2  }
0xb0: {  	[dreg:$0x3] =	wrdreg s18  }
0xb1: {  	[dreg:$0x4] =	wrdreg s24  }
0xb2: {  	[dreg:$0x5] =	wrdreg $0x9  }
0xb3: {  	_ =	task.clear_ibuf [dreg:s8], $0x6FFFF;
	_ =	strace $0x90000046  }
0xb4: {  	s29 =	simm.s32 $0x9;
	_ =	strace $0x80000048  }
0xb5: {  	_ =	swait.ge [sflag:s29], $0x1  }
0xb6: {  	[sflag:s29] =	ssyncadd.s32 $0xFFFFFFFF  }
0xb7: {  	_ =	strace $0x90000048  }
0xb8: {  	_ =	sfence  }
0xb9: {  	s30 =	sld [smem:$0x0];
	_ =	sdelay $0x2  }
0xba: {  	s31 =	sshll.u32 s1, $0xD;
	s1 =	sshrl.u32 s1, $0x2  }
0xbb: {  	s3 =	sand.u32 $0x4000, s31;
	s1 =	sadd.s32 s1, s30  }
0xbc: {  	s0 =	sor.u32 s3, s0;
	s1 =	sshll.u32 s1, $0x11  }
0xbd: {  	s0 =	sor.u32 s1, s0  }
0xbe: {  	s0 =	sadd.s32 $0x8F2B, s0  }
0xbf: {  	[sflag:s0] =	ssyncadd.remote.s32 $0x1  }
0xc0: {  	_ =	sfence.sel $0xFFFF  }
0xc1: {  	[dreg:$0x0] =	wrdreg $0xFFFFFFFF;
	(pc) =	sbr.abs _section_cstart, $3  }
0xc2: {  	[dreg:$0x1] =	wrdreg $0xFFFFFFFF  }
0xc3: {  	_ =	task.clear_ibuf [dreg:s8], $0x2FFFF;
	_ =	strace $0x9FFFFFFF  }
0xc4: {  	(tm) =	ssettm $0x7FFFFFFF  }
0xc5: {  	_ =	shalt  }
tec
execute0_lowered:
.L_overlay_start_1:
0x0: {  	(tag) =	ssettag $0x1  }
0x1: {  	s0 =	srdreg.scid;
	s1 =	rddreg [dreg:$0x0]  }
0x2: {  	s8 =	stileid.u32;
	s7 =	rddreg [dreg:$0x1]  }
0x3: {  	s16 =	rddreg [dreg:$0x2];
	s4 =	simm.s32 $0x1;
	s3 =	simm.s32 $0x0  }
0x4: {  	s30 =	simm.s32 $0x3;
	s31 =	simm.s32 $0x4;
	s28 =	simm.s32 $0x0  }
0x5: {  	s0 =	sand.u32 $0x1, s0;
	s2 =	sshll.u32 s8, $0x1;
	[smem:$0x7FF] =	sst s3  }
0x6: {  	s2 =	sor.u32 s0, s2;
	p1 =	seq.s32 s0, $0x1;
	s5 =	ssub.s32 $0x2, s0  }
0x7: {  	_ =	strace $0x80000047;
	p0 =	seq.s32 s2, $0x0;
	s6 =	sshrl.u32 s5, $0x1  }
0x8: {  	s21 =	sshll.u32 s2, $0x2;
	s22 =	sshllo.u32 s2, $0x2;
	s2 =	sshll.u32 s2, $0x4  }
0x9: {  	p0 =	por !p0, !p1;
	s17 =	ssub.s32 s5, s6;
	s5 =	sshll.u32 s0, $0x9  }
0xa: {  	s6 =	simm.s32 $0x1;
	s10 =	sor.u32 $0x1, s21;
	s0 =	sor.u32 $0x2, s21  }
0xb: {  	s19 =	sadd.s32 s16, s2;
	s2 =	simm.s32 $0x5;
	p0 =	por !p0, !p0  }
0xc: {  	s11 =	sshll.u32 s10, $0x7;
	s13 =	sshll.u32 s0, $0x7;
	s4 =	simm.s32 @!p0 $0x0  }
0xd: {  	s20 =	smax.u32 s17, $0x1;
	s11 =	sand.u32 $0x280, s11;
	s4 =	ssub.s32 s8, s4  }
0xe: {  	s13 =	sand.u32 $0x300, s13;
	s14 =	sshll.u32 s4, $0x3;
	s4 =	sshll.u32 s8, $0x12  }
0xf: {  	p0 =	slt.s32 s14, $0x70;
	s8 =	sor.u32 s5, s4;
	s18 =	sor.u32 s4, s11  }
0x10: {  	s24 =	sor.u32 s4, s13;
	s14 =	simm.s32 @!p0 $0x70;
	s8 =	sshrl.u32 s8, $0x3  }
0x11: {  	s23 =	sshrl.u32 s18, $0x3;
	s25 =	sshrl.u32 s24, $0x3;
	s24 =	simm.s32 $0x2  }
0x12: {  	s9 =	sshrl.u32 s14, $0x3;
	s8 =	sadd.s32 s1, s8;
	s10 =	ssub.s32 s10, s14  }
0x13: {  	s12 =	ssub.s32 s0, s14;
	s0 =	sshll.u32 s22, $0x7;
	s7 =	sadd.s32 s7, s9  }
0x14: {  	s9 =	ssub.s32 s21, s14;
	s14 =	ssub.s32 s22, s14;
	s15 =	sand.u32 $0x380, s0  }
.Ltmp0:
0x15: {  	s0 =	sadd.s32 s1, s23;
	s22 =	simm.s32 $0x400;
	(pc) =	sbr.rel .LBB2_1-.Ltmp0, $4  }
0x16: {  	s23 =	simm.s32 $0x80;
	[dreg:$0x4] =	wrdreg s7;
	s26 =	sor.u32 s4, s15  }
0x17: {  	[dreg:$0x5] =	wrdreg s0;
	s0 =	sadd.s32 s1, s25;
	s29 =	sshrl.u32 s26, $0x3  }
0x18: {  	s25 =	simm.s32 $0x9080;
	[dreg:$0x6] =	wrdreg s0;
	s0 =	sadd.s32 s1, s29  }
0x19: {  	v0 =	vimm.s32 $0x0;
	vm0 =	vcmask $0x300;
	v1 =	vlaneseq.u32;
	s26 =	simm.s32 $0x7;
	[dreg:$0x7] =	wrdreg s0;
	s0 =	simm.s32 $0x6  }
.LBB2_24:
0x1a: {  	vm3 =	vgt.f32 v4, v3;
	vm1 =	vmand vm2, vm1  }
0x1b: {  	vm1 =	vmor vm3, vm1  }
0x1c: {  	v3 =	vsel vm1, $0x1, v0  }
0x1d: {  	v2 =	vadd.s32 v3, v2  }
0x1e: {  	(xrf0) =	vadd.scan.msk.s32 $0xffff, v2;
	_ =	sdelay $0x5  }
0x1f: {  	v2, _, _ =	vpop (xrf0)  }
0x20: {  	(v2sf) =	vpush v2, $0xF;
	_ =	sdelay $0xe  }
0x21: {  	s7 =	spop (v2sf)  }
0x22: {  	p0 =	slt.s32 s7, $0x5;
	s7 =	simm.f32 $1.000000000e+00  }
0x23: {  	s7 =	simm.s32 @!p0 $0x0  }
0x24: {  	s16 =	sadd.f32 s7, s16  }
.LBB2_25:
0x25: {  	_ = 	snop  }
0x26: {  	s28 =	sadd.s32 $0x1, s28;
	v2 =	vmov s16  }
0x27: {  	p0 =	sne.s32 s28, s20;
	v2 =	vnsel vm0, $0x0, v2  }
.Ltmp1:
0x28: {  	s7 =	simm.s32 $0x9280;
	[tilespmem:$0x9280] =	vst v2;
	(pc) =	sbr.rel @!p0 .LBB2_26-.Ltmp1, $4  }
0x29: {  	[hbm4b:s19+s3] =	stream.linear.scatter [tilespmem:s7], [sflag:$0x7], $0x80, $0x38;
	[tilespmem:$0x9300] =	vst v63  }
0x2a: {  	_ =	swait.ge [sflag:s26], $0x80  }
0x2b: {  	[sflag:s26] =	ssyncset.done $0x0  }
0x2c: {  	[sflag:s26] =	ssyncadd.s32 $0xFFFFFF80  }
.LBB2_1:
0x2d: {  	s7 =	rddreg [dreg:$0x4]  }
0x2e: {  	[tilespmem:s3], [sflag:$0x2] =	stream.linear.gather [hbm4b:s7+s3], $0x10, $0x38;
	[tilespmem:$0x9300] =	vst v63  }
0x2f: {  	s21 =	simm.s32 $0x200  }
0x30: {  	[tilespmem:s23], [sflag:$0x1] =	stream.strided.gather [hbm4b:s8+s21], $0x1000, s22, s21, $0x38;
	[tilespmem:$0x9300] =	vst v63  }
0x31: {  	_ =	swait.ge [sflag:s24], $0x10  }
0x32: {  	[sflag:s24] =	ssyncset.done $0x0  }
0x33: {  	[sflag:s24] =	ssyncadd.s32 $0xFFFFFFF0  }
0x34: {  	v5 =	vld [tilespmem:s9+$0x0];
	_ =	sdelay $0x4  }
0x35: {  	(v2sf) =	vpush v5, $0x0;
	_ =	sdelay $0xe  }
0x36: {  	s16 =	spop (v2sf)  }
0x37: {  	s17 =	sand.u32 $0xF, s16  }
0x38: {  	s18 =	sshra.s32 s16, $0x1F;
	p0 =	slt.s32 s16, $0x1;
	p1 =	sne.s32 s17, $0x0  }
0x39: {  	s7 =	sshrl.u32 s18, $0x1C;
	p0 =	por !p0, !p1  }
0x3a: {  	s17 =	simm.s32 $0x1;
	s16 =	sadd.s32 s7, s16;
	p0 =	por !p0, !p0  }
0x3b: {  	s16 =	sshra.s32 s16, $0x4;
	s17 =	simm.s32 @!p0 $0x0  }
0x3c: {  	s16 =	ssub.s32 s16, s17  }
0x3d: {  	s17 =	sshll.u32 s16, $0x7  }
0x3e: {  	s21 =	sshll.u32 s16, $0x4;
	s18 =	sand.u32 $0xFFFFFC00, s17  }
0x3f: {  	s7 =	sand.u32 $0x70, s21;
	s16 =	sadd.s32 s4, s18  }
0x40: {  	s16 =	sor.u32 s7, s16  }
0x41: {  	s16 =	sor.u32 s5, s16  }
0x42: {  	s16 =	sshrl.u32 s16, $0x3  }
0x43: {  	s16 =	sadd.s32 s1, s16  }
0x44: {  	[tilespmem:s25], [sflag:$0x3] =	stream.linear.gather [hbm4b:s16+s3], $0x10, $0x38;
	[tilespmem:$0x9300] =	vst v63  }
0x45: {  	v4 =	vld [tilespmem:s10+$0x0];
	_ =	sdelay $0x4  }
0x46: {  	(v2sf) =	vpush v4, $0x0;
	_ =	sdelay $0xe  }
0x47: {  	s16 =	spop (v2sf)  }
0x48: {  	s18 =	sand.u32 $0xF, s16  }
0x49: {  	s7 =	sshra.s32 s16, $0x1F;
	p1 =	slt.s32 s16, $0x1;
	p2 =	sne.s32 s18, $0x0  }
0x4a: {  	s18 =	sshrl.u32 s7, $0x1C;
	p0 =	por !p1, !p2  }
0x4b: {  	s17 =	simm.s32 $0x1;
	s16 =	sadd.s32 s18, s16;
	p0 =	por !p0, !p0  }
0x4c: {  	s16 =	sshra.s32 s16, $0x4;
	s17 =	simm.s32 @!p0 $0x0  }
0x4d: {  	s16 =	ssub.s32 s16, s17  }
0x4e: {  	s7 =	sshll.u32 s16, $0x7  }
0x4f: {  	s17 =	sshll.u32 s16, $0x4;
	s18 =	sand.u32 $0xFFFFFC00, s7  }
0x50: {  	s7 =	sand.u32 $0x70, s17;
	s16 =	sadd.s32 s4, s18  }
0x51: {  	s16 =	sor.u32 s7, s16  }
0x52: {  	s16 =	sor.u32 s11, s16  }
0x53: {  	s16 =	sshrl.u32 s16, $0x3  }
0x54: {  	s18 =	simm.s32 $0x9100;
	s16 =	sadd.s32 s1, s16  }
0x55: {  	[tilespmem:s18], [sflag:$0x4] =	stream.linear.gather [hbm4b:s16+s3], $0x10, $0x38;
	[tilespmem:$0x9300] =	vst v63  }
0x56: {  	v3 =	vld [tilespmem:s12+$0x0];
	_ =	sdelay $0x4  }
0x57: {  	(v2sf) =	vpush v3, $0x0;
	_ =	sdelay $0xe  }
0x58: {  	s16 =	spop (v2sf)  }
0x59: {  	s7 =	sand.u32 $0xF, s16  }
0x5a: {  	s29 =	sshra.s32 s16, $0x1F;
	p3 =	slt.s32 s16, $0x1;
	p4 =	sne.s32 s7, $0x0  }
0x5b: {  	s7 =	sshrl.u32 s29, $0x1C;
	p0 =	por !p3, !p4  }
0x5c: {  	s18 =	simm.s32 $0x1;
	s16 =	sadd.s32 s7, s16;
	p0 =	por !p0, !p0  }
0x5d: {  	s16 =	sshra.s32 s16, $0x4;
	s18 =	simm.s32 @!p0 $0x0  }
0x5e: {  	s16 =	ssub.s32 s16, s18  }
0x5f: {  	s18 =	sshll.u32 s16, $0x7  }
0x60: {  	s16 =	sshll.u32 s16, $0x4;
	s18 =	sand.u32 $0xFFFFFC00, s18  }
0x61: {  	s29 =	sand.u32 $0x70, s16;
	s18 =	sadd.s32 s4, s18  }
0x62: {  	s18 =	sor.u32 s29, s18  }
0x63: {  	s18 =	sor.u32 s13, s18  }
0x64: {  	s18 =	sshrl.u32 s18, $0x3  }
0x65: {  	s7 =	simm.s32 $0x9180;
	s18 =	sadd.s32 s1, s18  }
0x66: {  	[tilespmem:s7], [sflag:$0x5] =	stream.linear.gather [hbm4b:s18+s3], $0x10, $0x38;
	[tilespmem:$0x9300] =	vst v63  }
0x67: {  	v2 =	vld [tilespmem:s14+$0x0];
	_ =	sdelay $0x4  }
0x68: {  	(v2sf) =	vpush v2, $0x0;
	_ =	sdelay $0xe  }
0x69: {  	s18 =	spop (v2sf)  }
0x6a: {  	s29 =	sand.u32 $0xF, s18  }
0x6b: {  	s7 =	sshra.s32 s18, $0x1F;
	p5 =	slt.s32 s18, $0x1;
	p6 =	sne.s32 s29, $0x0  }
0x6c: {  	s7 =	sshrl.u32 s7, $0x1C;
	p0 =	por !p5, !p6  }
0x6d: {  	s7 =	sadd.s32 s7, s18;
	s18 =	simm.s32 $0x1;
	p0 =	por !p0, !p0  }
0x6e: {  	s7 =	sshra.s32 s7, $0x4;
	s18 =	simm.s32 @!p0 $0x0  }
0x6f: {  	s7 =	ssub.s32 s7, s18  }
0x70: {  	s18 =	sshll.u32 s7, $0x7  }
0x71: {  	s29 =	sshll.u32 s7, $0x4;
	s18 =	sand.u32 $0xFFFFFC00, s18  }
0x72: {  	s7 =	sadd.s32 s4, s18;
	s18 =	sand.u32 $0x70, s29  }
0x73: {  	v6 =	vmov s21;
	s7 =	sor.u32 s18, s7  }
0x74: {  	v6 =	vsub.s32 v5, v6;
	s7 =	sor.u32 s15, s7  }
0x75: {  	v6 =	vbroadcast v6, $0x0;
	s7 =	sshrl.u32 s7, $0x3  }
0x76: {  	s21 =	simm.s32 $0x9200;
	s7 =	sadd.s32 s1, s7  }
0x77: {  	[tilespmem:s21], [sflag:$0x6] =	stream.linear.gather [hbm4b:s7+s3], $0x10, $0x38;
	[tilespmem:$0x9300] =	vst v63  }
0x78: {  	_ =	swait.ge [sflag:s30], $0x10  }
0x79: {  	[sflag:s30] =	ssyncset.done $0x0  }
0x7a: {  	[sflag:s30] =	ssyncadd.s32 $0xFFFFFFF0  }
0x7b: {  	v6 =	vld.idx.msk [tilespmem:v6+s25+$0x0], $0xffff;
	_ =	swait.ge [sflag:s6], $0x1000  }
0x7c: {  	[sflag:s6] =	ssyncset.done $0x0  }
0x7d: {  	s18 =	simm.s32 $0x0;
	[sflag:s6] =	ssyncadd.s32 $0xFFFFF000  }
0x7e: {  	v7 =	vld [tilespmem:s18+$0xF0]  }
0x7f: {  	v8 =	vld [tilespmem:s18+$0x80];
	_ =	sdelay $0x1  }
0x80: {  	v9 =	vld [tilespmem:s18+$0x90]  }
0x81: {  	v14 =	vimm.s32 $0x0;
	v17 =	vld [tilespmem:s18+$0xA0]  }
0x82: {  	v13 =	vimm.s32 $0x0;
	v12 =	vimm.s32 $0x0;
	v10 =	vimm.s32 $0x0;
	v15 =	vld [tilespmem:s18+$0xB0]  }
0x83: {  	v11 =	vimm.s32 $0x0;
	v18 =	vld [tilespmem:s18+$0xC0];
	vm1 =	vgt.f32 v7, v6;
	vm2 =	vgt.f32 v8, v6  }
0x84: {  	v16 =	vld [tilespmem:s18+$0xD0];
	v8 =	vimm.s32 $0x0;
	v7 =	vsel vm1, $0x1, v0;
	v20 =	vsel vm2, $0x1, v0  }
0x85: {  	s21 =	simm.s32 $0x200;
	v19 =	vld [tilespmem:s18+$0xE0];
	s18 =	simm.s32 $0x1000;
	vm1 =	vgt.f32 v9, v6;
	v9 =	vimm.s32 $0x0;
	v7 =	vadd.s32 v7, v0  }
.LBB2_2:
0x86: {  	p0 =	sne.s32 s18, $0x3800;
	v21 =	vld [tilespmem:s21+$0xF0];
	v14 =	vadd.s32 v20, v14;
	v20 =	vsel vm1, $0x1, v0;
	vm1 =	vgt.f32 v17, v6  }
0x87: {  	v22 =	vld [tilespmem:s21+$0x80];
	v13 =	vadd.s32 v20, v13;
	v17 =	vsel vm1, $0x1, v0;
	vm1 =	vgt.f32 v15, v6  }
0x88: {  	v23 =	vld [tilespmem:s21+$0x90];
	v12 =	vadd.s32 v17, v12;
	v15 =	vsel vm1, $0x1, v0;
	vm1 =	vgt.f32 v18, v6  }
.Ltmp2:
0x89: {  	v17 =	vld [tilespmem:s21+$0xA0];
	v10 =	vadd.s32 v15, v10;
	v18 =	vsel vm1, $0x1, v0;
	vm1 =	vgt.f32 v16, v6;
	(pc) =	sbr.rel @p0 .LBB2_2-.Ltmp2, $4  }
0x8a: {  	v15 =	vld [tilespmem:s21+$0xB0];
	v11 =	vadd.s32 v18, v11;
	v16 =	vsel vm1, $0x1, v0;
	vm1 =	vgt.f32 v19, v6  }
0x8b: {  	v18 =	vld [tilespmem:s21+$0xC0];
	vm2 =	vgt.f32 v21, v6;
	v9 =	vadd.s32 v16, v9;
	v19 =	vsel vm1, $0x1, v0  }
0x8c: {  	vm1 =	vgt.f32 v22, v6;
	v16 =	vld [tilespmem:s21+$0xD0];
	v21 =	vsel vm2, $0x1, v0;
	v8 =	vadd.s32 v19, v8  }
0x8d: {  	v20 =	vsel vm1, $0x1, v0;
	vm1 =	vgt.f32 v23, v6;
	v19 =	vld [tilespmem:s21+$0xE0];
	s21 =	sshra.s32 s18, $0x2;
	s18 =	sadd.s32 $0x800, s18;
	v7 =	vadd.s32 v21, v7  }
0x8e: {  	v21 =	vld [tilespmem:s21+$0xF0];
	v22 =	vsel vm1, $0x1, v0  }
0x8f: {  	v14 =	vadd.s32 v20, v14;
	vm1 =	vgt.f32 v17, v6;
	v45 =	vld [tilespmem:s21+$0x80];
	v13 =	vadd.s32 v22, v13  }
0x90: {  	v47 =	vld [tilespmem:s21+$0x90];
	v46 =	vsel vm1, $0x1, v0;
	vm1 =	vgt.f32 v15, v6;
	vm2 =	vgt.f32 v18, v6  }
0x91: {  	v49 =	vld [tilespmem:s21+$0xA0];
	v12 =	vadd.s32 v46, v12;
	v48 =	vsel vm1, $0x1, v0;
	v50 =	vsel vm2, $0x1, v0  }
0x92: {  	v51 =	vld [tilespmem:s21+$0xB0];
	v10 =	vadd.s32 v48, v10;
	vm1 =	vgt.f32 v16, v6;
	v11 =	vadd.s32 v50, v11  }
0x93: {  	v53 =	vld [tilespmem:s21+$0xC0];
	v52 =	vsel vm1, $0x1, v0;
	vm1 =	vgt.f32 v19, v6;
	vm2 =	vgt.f32 v21, v6  }
0x94: {  	v9 =	vadd.s32 v52, v9;
	v54 =	vsel vm1, $0x1, v0;
	vm1 =	vgt.f32 v45, v6  }
0x95: {  	v55 =	vld [tilespmem:s21+$0xD0];
	v8 =	vadd.s32 v54, v8;
	v56 =	vsel vm1, $0x1, v0;
	vm1 =	vgt.f32 v47, v6  }
0x96: {  	v57 =	vld [tilespmem:s21+$0xE0];
	v14 =	vadd.s32 v56, v14;
	v58 =	vsel vm1, $0x1, v0;
	vm1 =	vgt.f32 v49, v6  }
0x97: {  	v13 =	vadd.s32 v58, v13;
	v59 =	vsel vm1, $0x1, v0;
	vm1 =	vgt.f32 v51, v6  }
0x98: {  	v12 =	vadd.s32 v59, v12;
	v16 =	vsel vm1, $0x1, v0;
	vm1 =	vgt.f32 v53, v6  }
0x99: {  	v13 =	vadd.s32 v14, v13;
	v10 =	vadd.s32 v16, v10;
	v60 =	vsel vm1, $0x1, v0  }
0x9a: {  	vm1 =	vgt.f32 v55, v6;
	v12 =	vadd.s32 v12, v13;
	v11 =	vadd.s32 v60, v11  }
0x9b: {  	v61 =	vsel vm1, $0x1, v0;
	vm1 =	vgt.f32 v57, v6;
	v10 =	vadd.s32 v10, v12  }
0x9c: {  	v9 =	vadd.s32 v61, v9;
	v62 =	vsel vm1, $0x1, v0;
	v10 =	vadd.s32 v11, v10  }
0x9d: {  	v63 =	vsel vm2, $0x1, v0;
	v8 =	vadd.s32 v62, v8;
	v9 =	vadd.s32 v9, v10  }
0x9e: {  	v7 =	vadd.s32 v63, v7;
	v8 =	vadd.s32 v8, v9  }
0x9f: {  	v7 =	vadd.s32 v7, v8  }
0xa0: {  	(xrf0) =	vadd.scan.msk.s32 $0xffff, v7;
	_ =	sdelay $0x5  }
0xa1: {  	v7, _, _ =	vpop (xrf0)  }
0xa2: {  	(v2sf) =	vpush v7, $0xF;
	_ =	sdelay $0xe  }
0xa3: {  	s7 =	spop (v2sf)  }
0xa4: {  	p0 =	sgt.s32 s7, $0x4  }
.Ltmp3:
0xa5: {  	_ = 	snop;
	(pc) =	sbr.rel @p0 .LBB2_7-.Ltmp3, $2  }
0xa6: {  	_ =	sdelay $0x2  }
0xa7: {  	s21 =	simm.f32 $0.0e+00  }
0xa8: {  	s7 =	simm.s32 $0x1080  }
0xa9: {  	[tilespmem:s7], [sflag:$0x7] =	stream.strided.gather [hbm4b:s8+s23], $0x8000, s22, s23, $0x38;
	[tilespmem:$0x9300] =	vst v63  }
0xaa: {  	_ =	swait.ge [sflag:s26], $0x8000  }
0xab: {  	[sflag:s26] =	ssyncset.done $0x0  }
0xac: {  	[sflag:s26] =	ssyncadd.s32 $0xFFFF8000  }
0xad: {  	v7 =	vld [tilespmem:s7+$0x0];
	_ =	sdelay $0x2  }
0xae: {  	v8 =	vbroadcast v5, $0x0;
	s21 =	simm.s32 $0x0  }
0xaf: {  	v9 =	vor.u32 s21, v1  }
0xb0: {  	v5 =	vimm.s32 $0x0;
	s18 =	simm.s32 $0x10;
	s21 =	simm.s32 $0x1090;
	vm2 =	vlt.s32 v9, v8;
	vm1 =	veq.f32 v7, v6  }
.LBB2_5:
0xb1: {  	p0 =	sne.s32 s18, $0x7FF0;
	vm3 =	vgt.f32 v7, v6;
	v7 =	vld [tilespmem:s21+$0x0];
	vm1 =	vmand vm2, vm1;
	s7 =	smov.u32 s18;
	s18 =	sadd.s32 $0x10, s18  }
.Ltmp4:
0xb2: {  	vm1 =	vmor vm3, vm1;
	(pc) =	sbr.rel @p0 .LBB2_5-.Ltmp4, $4  }
0xb3: {  	v9 =	vsel vm1, $0x1, v0  }
0xb4: {  	v5 =	vadd.s32 v9, v5  }
0xb5: {  	v9 =	vor.u32 s7, v1  }
0xb6: {  	s21 =	sadd.s32 $0x10, s21;
	vm2 =	vlt.s32 v9, v8;
	vm1 =	veq.f32 v7, v6  }
0xb7: {  	vm3 =	vgt.f32 v7, v6;
	vm1 =	vmand vm2, vm1  }
0xb8: {  	vm1 =	vmor vm3, vm1  }
0xb9: {  	v6 =	vsel vm1, $0x1, v0  }
0xba: {  	v5 =	vadd.s32 v6, v5  }
0xbb: {  	(xrf0) =	vadd.scan.msk.s32 $0xffff, v5;
	_ =	sdelay $0x5  }
0xbc: {  	v5, _, _ =	vpop (xrf0)  }
0xbd: {  	(v2sf) =	vpush v5, $0xF;
	_ =	sdelay $0xe  }
0xbe: {  	s7 =	spop (v2sf)  }
0xbf: {  	s21 =	simm.f32 $1.000000000e+00;
	p0 =	slt.s32 s7, $0x5  }
0xc0: {  	s21 =	simm.s32 @!p0 $0x0  }
.LBB2_7:
0xc1: {  	v5 =	vmov s17  }
0xc2: {  	v5 =	vsub.s32 v4, v5  }
0xc3: {  	v5 =	vadd.s32 $0x80, v5  }
0xc4: {  	v5 =	vbroadcast v5, $0x0  }
0xc5: {  	_ =	swait.ge [sflag:s31], $0x10  }
0xc6: {  	[sflag:s31] =	ssyncset.done $0x0  }
0xc7: {  	s7 =	simm.s32 $0x0;
	[sflag:s31] =	ssyncadd.s32 $0xFFFFFFF0  }
0xc8: {  	v6 =	vld [tilespmem:s7+$0x170]  }
0xc9: {  	v7 =	vld [tilespmem:s7+$0x100]  }
0xca: {  	v5 =	vld.idx.msk [tilespmem:v5+s25+$0x0], $0xffff;
	_ =	sdelay $0x1  }
0xcb: {  	v8 =	vld [tilespmem:s7+$0x110]  }
0xcc: {  	v10 =	vimm.s32 $0x0;
	v16 =	vld [tilespmem:s7+$0x120]  }
0xcd: {  	v13 =	vimm.s32 $0x0;
	v12 =	vimm.s32 $0x0;
	v9 =	vimm.s32 $0x0;
	v14 =	vld [tilespmem:s7+$0x130]  }
0xce: {  	v11 =	vimm.s32 $0x0;
	v17 =	vld [tilespmem:s7+$0x140];
	vm1 =	vgt.f32 v6, v5;
	vm2 =	vgt.f32 v7, v5  }
0xcf: {  	v15 =	vld [tilespmem:s7+$0x150];
	v7 =	vimm.s32 $0x0;
	v6 =	vsel vm1, $0x1, v0;
	v19 =	vsel vm2, $0x1, v0  }
0xd0: {  	s17 =	simm.s32 $0x200;
	s18 =	simm.s32 $0x1000;
	v18 =	vld [tilespmem:s7+$0x160];
	vm1 =	vgt.f32 v8, v5;
	v8 =	vimm.s32 $0x0;
	v6 =	vadd.s32 v6, v10  }
.LBB2_8:
0xd1: {  	p0 =	sne.s32 s18, $0x3800;
	v20 =	vld [tilespmem:s17+$0x170];
	v10 =	vadd.s32 v19, v10;
	v19 =	vsel vm1, $0x1, v0;
	vm1 =	vgt.f32 v16, v5  }
0xd2: {  	v21 =	vld [tilespmem:s17+$0x100];
	v13 =	vadd.s32 v19, v13;
	v16 =	vsel vm1, $0x1, v0;
	vm1 =	vgt.f32 v14, v5  }
0xd3: {  	v22 =	vld [tilespmem:s17+$0x110];
	v12 =	vadd.s32 v16, v12;
	v14 =	vsel vm1, $0x1, v0;
	vm1 =	vgt.f32 v17, v5  }
.Ltmp5:
0xd4: {  	v16 =	vld [tilespmem:s17+$0x120];
	v9 =	vadd.s32 v14, v9;
	v17 =	vsel vm1, $0x1, v0;
	vm1 =	vgt.f32 v15, v5;
	(pc) =	sbr.rel @p0 .LBB2_8-.Ltmp5, $4  }
0xd5: {  	v14 =	vld [tilespmem:s17+$0x130];
	v11 =	vadd.s32 v17, v11;
	v15 =	vsel vm1, $0x1, v0;
	vm1 =	vgt.f32 v18, v5  }
0xd6: {  	v17 =	vld [tilespmem:s17+$0x140];
	vm2 =	vgt.f32 v20, v5;
	v8 =	vadd.s32 v15, v8;
	v18 =	vsel vm1, $0x1, v0  }
0xd7: {  	vm1 =	vgt.f32 v21, v5;
	v15 =	vld [tilespmem:s17+$0x150];
	v20 =	vsel vm2, $0x1, v0;
	v7 =	vadd.s32 v18, v7  }
0xd8: {  	v19 =	vsel vm1, $0x1, v0;
	vm1 =	vgt.f32 v22, v5;
	v18 =	vld [tilespmem:s17+$0x160];
	s17 =	sshra.s32 s18, $0x2;
	s18 =	sadd.s32 $0x800, s18;
	v6 =	vadd.s32 v20, v6  }
0xd9: {  	v20 =	vld [tilespmem:s17+$0x170];
	v21 =	vsel vm1, $0x1, v0  }
0xda: {  	v10 =	vadd.s32 v19, v10;
	vm1 =	vgt.f32 v16, v5;
	v45 =	vld [tilespmem:s17+$0x100];
	v13 =	vadd.s32 v21, v13  }
0xdb: {  	v47 =	vld [tilespmem:s17+$0x110];
	v46 =	vsel vm1, $0x1, v0;
	vm1 =	vgt.f32 v14, v5;
	vm2 =	vgt.f32 v17, v5  }
0xdc: {  	v49 =	vld [tilespmem:s17+$0x120];
	v12 =	vadd.s32 v46, v12;
	v48 =	vsel vm1, $0x1, v0;
	v50 =	vsel vm2, $0x1, v0  }
0xdd: {  	v51 =	vld [tilespmem:s17+$0x130];
	v9 =	vadd.s32 v48, v9;
	vm1 =	vgt.f32 v15, v5;
	v11 =	vadd.s32 v50, v11  }
0xde: {  	v53 =	vld [tilespmem:s17+$0x140];
	v52 =	vsel vm1, $0x1, v0;
	vm1 =	vgt.f32 v18, v5;
	vm2 =	vgt.f32 v20, v5  }
0xdf: {  	v8 =	vadd.s32 v52, v8;
	v54 =	vsel vm1, $0x1, v0;
	vm1 =	vgt.f32 v45, v5  }
0xe0: {  	v55 =	vld [tilespmem:s17+$0x150];
	v7 =	vadd.s32 v54, v7;
	v56 =	vsel vm1, $0x1, v0;
	vm1 =	vgt.f32 v47, v5  }
0xe1: {  	v57 =	vld [tilespmem:s17+$0x160];
	v10 =	vadd.s32 v56, v10;
	v58 =	vsel vm1, $0x1, v0;
	vm1 =	vgt.f32 v49, v5  }
0xe2: {  	v13 =	vadd.s32 v58, v13;
	v59 =	vsel vm1, $0x1, v0;
	vm1 =	vgt.f32 v51, v5  }
0xe3: {  	v12 =	vadd.s32 v59, v12;
	v15 =	vsel vm1, $0x1, v0;
	vm1 =	vgt.f32 v53, v5  }
0xe4: {  	v10 =	vadd.s32 v10, v13;
	v9 =	vadd.s32 v15, v9;
	v60 =	vsel vm1, $0x1, v0  }
0xe5: {  	vm1 =	vgt.f32 v55, v5;
	v10 =	vadd.s32 v12, v10;
	v11 =	vadd.s32 v60, v11  }
0xe6: {  	v61 =	vsel vm1, $0x1, v0;
	vm1 =	vgt.f32 v57, v5;
	v9 =	vadd.s32 v9, v10  }
0xe7: {  	v8 =	vadd.s32 v61, v8;
	v62 =	vsel vm1, $0x1, v0;
	v9 =	vadd.s32 v11, v9  }
0xe8: {  	v63 =	vsel vm2, $0x1, v0;
	v7 =	vadd.s32 v62, v7;
	v8 =	vadd.s32 v8, v9  }
0xe9: {  	v6 =	vadd.s32 v63, v6;
	v7 =	vadd.s32 v7, v8  }
0xea: {  	v6 =	vadd.s32 v6, v7  }
0xeb: {  	(xrf0) =	vadd.scan.msk.s32 $0xffff, v6;
	_ =	sdelay $0x5  }
0xec: {  	v6, _, _ =	vpop (xrf0)  }
0xed: {  	(v2sf) =	vpush v6, $0xF;
	_ =	sdelay $0xe  }
0xee: {  	s7 =	spop (v2sf)  }
0xef: {  	p0 =	sgt.s32 s7, $0x4  }
.Ltmp6:
0xf0: {  	_ = 	snop;
	(pc) =	sbr.rel @p0 .LBB2_13-.Ltmp6, $1  }
0xf1: {  	_ =	sdelay $0x3  }
0xf2: {  	s7 =	simm.s32 $0x1080;
	s17 =	rddreg [dreg:$0x5]  }
0xf3: {  	[tilespmem:s7], [sflag:$0x7] =	stream.strided.gather [hbm4b:s17+s23], $0x8000, s22, s23, $0x38;
	[tilespmem:$0x9300] =	vst v63  }
0xf4: {  	_ =	swait.ge [sflag:s26], $0x8000  }
0xf5: {  	[sflag:s26] =	ssyncset.done $0x0  }
0xf6: {  	[sflag:s26] =	ssyncadd.s32 $0xFFFF8000  }
0xf7: {  	v6 =	vld [tilespmem:s7+$0x0];
	_ =	sdelay $0x2  }
0xf8: {  	v7 =	vbroadcast v4, $0x0;
	s18 =	simm.s32 $0x0  }
0xf9: {  	v8 =	vor.u32 s18, v1  }
0xfa: {  	v4 =	vimm.s32 $0x0;
	s17 =	simm.s32 $0x10;
	s18 =	simm.s32 $0x1090;
	vm2 =	vlt.s32 v8, v7;
	vm1 =	veq.f32 v6, v5  }
.LBB2_11:
0xfb: {  	p0 =	sne.s32 s17, $0x7FF0;
	vm3 =	vgt.f32 v6, v5;
	v6 =	vld [tilespmem:s18+$0x0];
	vm1 =	vmand vm2, vm1;
	s7 =	smov.u32 s17;
	s17 =	sadd.s32 $0x10, s17  }
.Ltmp7:
0xfc: {  	vm1 =	vmor vm3, vm1;
	(pc) =	sbr.rel @p0 .LBB2_11-.Ltmp7, $4  }
0xfd: {  	v8 =	vsel vm1, $0x1, v0  }
0xfe: {  	v4 =	vadd.s32 v8, v4  }
0xff: {  	v8 =	vor.u32 s7, v1  }
0x100: {  	s18 =	sadd.s32 $0x10, s18;
	vm2 =	vlt.s32 v8, v7;
	vm1 =	veq.f32 v6, v5  }
0x101: {  	vm3 =	vgt.f32 v6, v5;
	vm1 =	vmand vm2, vm1  }
0x102: {  	vm1 =	vmor vm3, vm1  }
0x103: {  	v5 =	vsel vm1, $0x1, v0  }
0x104: {  	v4 =	vadd.s32 v5, v4  }
0x105: {  	(xrf0) =	vadd.scan.msk.s32 $0xffff, v4;
	_ =	sdelay $0x5  }
0x106: {  	v4, _, _ =	vpop (xrf0)  }
0x107: {  	(v2sf) =	vpush v4, $0xF;
	_ =	sdelay $0xe  }
0x108: {  	s7 =	spop (v2sf)  }
0x109: {  	p0 =	slt.s32 s7, $0x5;
	s7 =	simm.f32 $1.000000000e+00  }
0x10a: {  	s7 =	simm.s32 @!p0 $0x0  }
0x10b: {  	s21 =	sadd.f32 s7, s21  }
.LBB2_13:
0x10c: {  	v4 =	vmov s16  }
0x10d: {  	v4 =	vsub.s32 v3, v4  }
0x10e: {  	v4 =	vadd.s32 $0x100, v4  }
0x10f: {  	v4 =	vbroadcast v4, $0x0  }
0x110: {  	_ =	swait.ge [sflag:s2], $0x10  }
0x111: {  	[sflag:s2] =	ssyncset.done $0x0  }
0x112: {  	s7 =	simm.s32 $0x0;
	[sflag:s2] =	ssyncadd.s32 $0xFFFFFFF0  }
0x113: {  	v5 =	vld [tilespmem:s7+$0x1F0]  }
0x114: {  	v6 =	vld [tilespmem:s7+$0x180]  }
0x115: {  	v4 =	vld.idx.msk [tilespmem:v4+s25+$0x0], $0xffff;
	_ =	sdelay $0x1  }
0x116: {  	v7 =	vld [tilespmem:s7+$0x190]  }
0x117: {  	v9 =	vimm.s32 $0x0;
	v15 =	vld [tilespmem:s7+$0x1A0]  }
0x118: {  	v12 =	vimm.s32 $0x0;
	v11 =	vimm.s32 $0x0;
	v8 =	vimm.s32 $0x0;
	v13 =	vld [tilespmem:s7+$0x1B0]  }
0x119: {  	v10 =	vimm.s32 $0x0;
	v16 =	vld [tilespmem:s7+$0x1C0];
	vm1 =	vgt.f32 v5, v4;
	vm2 =	vgt.f32 v6, v4  }
0x11a: {  	v14 =	vld [tilespmem:s7+$0x1D0];
	v6 =	vimm.s32 $0x0;
	v5 =	vsel vm1, $0x1, v0;
	v18 =	vsel vm2, $0x1, v0  }
0x11b: {  	s16 =	simm.s32 $0x200;
	s17 =	simm.s32 $0x1000;
	v17 =	vld [tilespmem:s7+$0x1E0];
	vm1 =	vgt.f32 v7, v4;
	v7 =	vimm.s32 $0x0;
	v5 =	vadd.s32 v5, v9  }
.LBB2_14:
0x11c: {  	p0 =	sne.s32 s17, $0x3800;
	v19 =	vld [tilespmem:s16+$0x1F0];
	v9 =	vadd.s32 v18, v9;
	v18 =	vsel vm1, $0x1, v0;
	vm1 =	vgt.f32 v15, v4  }
0x11d: {  	v20 =	vld [tilespmem:s16+$0x180];
	v12 =	vadd.s32 v18, v12;
	v15 =	vsel vm1, $0x1, v0;
	vm1 =	vgt.f32 v13, v4  }
0x11e: {  	v21 =	vld [tilespmem:s16+$0x190];
	v11 =	vadd.s32 v15, v11;
	v13 =	vsel vm1, $0x1, v0;
	vm1 =	vgt.f32 v16, v4  }
.Ltmp8:
0x11f: {  	v15 =	vld [tilespmem:s16+$0x1A0];
	v8 =	vadd.s32 v13, v8;
	v16 =	vsel vm1, $0x1, v0;
	vm1 =	vgt.f32 v14, v4;
	(pc) =	sbr.rel @p0 .LBB2_14-.Ltmp8, $4  }
0x120: {  	v13 =	vld [tilespmem:s16+$0x1B0];
	v10 =	vadd.s32 v16, v10;
	v14 =	vsel vm1, $0x1, v0;
	vm1 =	vgt.f32 v17, v4  }
0x121: {  	v16 =	vld [tilespmem:s16+$0x1C0];
	vm2 =	vgt.f32 v19, v4;
	v7 =	vadd.s32 v14, v7;
	v17 =	vsel vm1, $0x1, v0  }
0x122: {  	vm1 =	vgt.f32 v20, v4;
	v14 =	vld [tilespmem:s16+$0x1D0];
	v19 =	vsel vm2, $0x1, v0;
	v6 =	vadd.s32 v17, v6  }
0x123: {  	v18 =	vsel vm1, $0x1, v0;
	vm1 =	vgt.f32 v21, v4;
	v17 =	vld [tilespmem:s16+$0x1E0];
	s16 =	sshra.s32 s17, $0x2;
	s17 =	sadd.s32 $0x800, s17;
	v5 =	vadd.s32 v19, v5  }
0x124: {  	v19 =	vld [tilespmem:s16+$0x1F0];
	v20 =	vsel vm1, $0x1, v0  }
0x125: {  	v9 =	vadd.s32 v18, v9;
	vm1 =	vgt.f32 v15, v4;
	v45 =	vld [tilespmem:s16+$0x180];
	v12 =	vadd.s32 v20, v12  }
0x126: {  	v47 =	vld [tilespmem:s16+$0x190];
	v46 =	vsel vm1, $0x1, v0;
	vm1 =	vgt.f32 v13, v4;
	vm2 =	vgt.f32 v16, v4  }
0x127: {  	v49 =	vld [tilespmem:s16+$0x1A0];
	v11 =	vadd.s32 v46, v11;
	v48 =	vsel vm1, $0x1, v0;
	v50 =	vsel vm2, $0x1, v0  }
0x128: {  	v51 =	vld [tilespmem:s16+$0x1B0];
	v8 =	vadd.s32 v48, v8;
	vm1 =	vgt.f32 v14, v4;
	v10 =	vadd.s32 v50, v10  }
0x129: {  	v53 =	vld [tilespmem:s16+$0x1C0];
	v52 =	vsel vm1, $0x1, v0;
	vm1 =	vgt.f32 v17, v4;
	vm2 =	vgt.f32 v19, v4  }
0x12a: {  	v7 =	vadd.s32 v52, v7;
	v54 =	vsel vm1, $0x1, v0;
	vm1 =	vgt.f32 v45, v4  }
0x12b: {  	v55 =	vld [tilespmem:s16+$0x1D0];
	v6 =	vadd.s32 v54, v6;
	v56 =	vsel vm1, $0x1, v0;
	vm1 =	vgt.f32 v47, v4  }
0x12c: {  	v57 =	vld [tilespmem:s16+$0x1E0];
	v9 =	vadd.s32 v56, v9;
	v58 =	vsel vm1, $0x1, v0;
	vm1 =	vgt.f32 v49, v4  }
0x12d: {  	v12 =	vadd.s32 v58, v12;
	v59 =	vsel vm1, $0x1, v0;
	vm1 =	vgt.f32 v51, v4  }
0x12e: {  	v11 =	vadd.s32 v59, v11;
	v14 =	vsel vm1, $0x1, v0;
	vm1 =	vgt.f32 v53, v4  }
0x12f: {  	v9 =	vadd.s32 v9, v12;
	v8 =	vadd.s32 v14, v8;
	v60 =	vsel vm1, $0x1, v0  }
0x130: {  	vm1 =	vgt.f32 v55, v4;
	v9 =	vadd.s32 v11, v9;
	v10 =	vadd.s32 v60, v10  }
0x131: {  	v61 =	vsel vm1, $0x1, v0;
	vm1 =	vgt.f32 v57, v4;
	v8 =	vadd.s32 v8, v9  }
0x132: {  	v7 =	vadd.s32 v61, v7;
	v62 =	vsel vm1, $0x1, v0;
	v8 =	vadd.s32 v10, v8  }
0x133: {  	v63 =	vsel vm2, $0x1, v0;
	v6 =	vadd.s32 v62, v6;
	v7 =	vadd.s32 v7, v8  }
0x134: {  	v5 =	vadd.s32 v63, v5;
	v6 =	vadd.s32 v6, v7  }
0x135: {  	v5 =	vadd.s32 v5, v6  }
0x136: {  	(xrf0) =	vadd.scan.msk.s32 $0xffff, v5;
	_ =	sdelay $0x5  }
0x137: {  	v5, _, _ =	vpop (xrf0)  }
0x138: {  	(v2sf) =	vpush v5, $0xF;
	_ =	sdelay $0xe  }
0x139: {  	s7 =	spop (v2sf)  }
0x13a: {  	p0 =	sgt.s32 s7, $0x4  }
.Ltmp9:
0x13b: {  	_ = 	snop;
	(pc) =	sbr.rel @p0 .LBB2_19-.Ltmp9, $2  }
0x13c: {  	_ =	sdelay $0x2  }
0x13d: {  	s16 =	simm.f32 $0.0e+00  }
0x13e: {  	s7 =	simm.s32 $0x1080;
	s16 =	rddreg [dreg:$0x6]  }
0x13f: {  	[tilespmem:s7], [sflag:$0x7] =	stream.strided.gather [hbm4b:s16+s23], $0x8000, s22, s23, $0x38;
	[tilespmem:$0x9300] =	vst v63  }
0x140: {  	_ =	swait.ge [sflag:s26], $0x8000  }
0x141: {  	[sflag:s26] =	ssyncset.done $0x0  }
0x142: {  	[sflag:s26] =	ssyncadd.s32 $0xFFFF8000  }
0x143: {  	v5 =	vld [tilespmem:s7+$0x0];
	_ =	sdelay $0x2  }
0x144: {  	v6 =	vbroadcast v3, $0x0;
	s18 =	simm.s32 $0x0  }
0x145: {  	v7 =	vor.u32 s18, v1  }
0x146: {  	v3 =	vimm.s32 $0x0;
	s17 =	simm.s32 $0x1090;
	s16 =	simm.s32 $0x10;
	vm2 =	vlt.s32 v7, v6;
	vm1 =	veq.f32 v5, v4  }
.LBB2_17:
0x147: {  	p0 =	sne.s32 s16, $0x7FF0;
	vm3 =	vgt.f32 v5, v4;
	v5 =	vld [tilespmem:s17+$0x0];
	vm1 =	vmand vm2, vm1;
	s7 =	smov.u32 s16;
	s16 =	sadd.s32 $0x10, s16  }
.Ltmp10:
0x148: {  	vm1 =	vmor vm3, vm1;
	(pc) =	sbr.rel @p0 .LBB2_17-.Ltmp10, $4  }
0x149: {  	v7 =	vsel vm1, $0x1, v0  }
0x14a: {  	v3 =	vadd.s32 v7, v3  }
0x14b: {  	v7 =	vor.u32 s7, v1  }
0x14c: {  	s17 =	sadd.s32 $0x10, s17;
	vm2 =	vlt.s32 v7, v6;
	vm1 =	veq.f32 v5, v4  }
0x14d: {  	vm3 =	vgt.f32 v5, v4;
	vm1 =	vmand vm2, vm1  }
0x14e: {  	vm1 =	vmor vm3, vm1  }
0x14f: {  	v63 =	vsel vm1, $0x1, v0  }
0x150: {  	v3 =	vadd.s32 v63, v3  }
0x151: {  	(xrf0) =	vadd.scan.msk.s32 $0xffff, v3;
	_ =	sdelay $0x5  }
0x152: {  	v3, _, _ =	vpop (xrf0)  }
0x153: {  	(v2sf) =	vpush v3, $0xF;
	_ =	sdelay $0xe  }
0x154: {  	s7 =	spop (v2sf)  }
0x155: {  	s16 =	simm.f32 $1.000000000e+00;
	p0 =	slt.s32 s7, $0x5  }
0x156: {  	s16 =	simm.s32 @!p0 $0x0  }
.LBB2_19:
0x157: {  	v3 =	vmov s29  }
0x158: {  	v3 =	vsub.s32 v2, v3  }
0x159: {  	v3 =	vadd.s32 $0x180, v3  }
0x15a: {  	v3 =	vbroadcast v3, $0x0  }
0x15b: {  	_ =	swait.ge [sflag:s0], $0x10  }
0x15c: {  	[sflag:s0] =	ssyncset.done $0x0  }
0x15d: {  	s7 =	simm.s32 $0x0;
	[sflag:s0] =	ssyncadd.s32 $0xFFFFFFF0  }
0x15e: {  	v4 =	vld [tilespmem:s7+$0x270]  }
0x15f: {  	v5 =	vld [tilespmem:s7+$0x200]  }
0x160: {  	v3 =	vld.idx.msk [tilespmem:v3+s25+$0x0], $0xffff;
	_ =	sdelay $0x1  }
0x161: {  	v6 =	vld [tilespmem:s7+$0x210]  }
0x162: {  	v8 =	vimm.s32 $0x0;
	v14 =	vld [tilespmem:s7+$0x220]  }
0x163: {  	v11 =	vimm.s32 $0x0;
	v10 =	vimm.s32 $0x0;
	v7 =	vimm.s32 $0x0;
	v12 =	vld [tilespmem:s7+$0x230]  }
0x164: {  	v9 =	vimm.s32 $0x0;
	v15 =	vld [tilespmem:s7+$0x240];
	vm1 =	vgt.f32 v4, v3;
	vm2 =	vgt.f32 v5, v3  }
0x165: {  	v13 =	vld [tilespmem:s7+$0x250];
	v5 =	vimm.s32 $0x0;
	v4 =	vsel vm1, $0x1, v0;
	v17 =	vsel vm2, $0x1, v0  }
0x166: {  	s17 =	simm.s32 $0x200;
	s18 =	simm.s32 $0x1000;
	v16 =	vld [tilespmem:s7+$0x260];
	vm1 =	vgt.f32 v6, v3;
	v6 =	vimm.s32 $0x0;
	v4 =	vadd.s32 v4, v8  }
.LBB2_20:
0x167: {  	p0 =	sne.s32 s18, $0x3800;
	v18 =	vld [tilespmem:s17+$0x270];
	v8 =	vadd.s32 v17, v8;
	v17 =	vsel vm1, $0x1, v0;
	vm1 =	vgt.f32 v14, v3  }
0x168: {  	v19 =	vld [tilespmem:s17+$0x200];
	v11 =	vadd.s32 v17, v11;
	v14 =	vsel vm1, $0x1, v0;
	vm1 =	vgt.f32 v12, v3  }
0x169: {  	v20 =	vld [tilespmem:s17+$0x210];
	v10 =	vadd.s32 v14, v10;
	v12 =	vsel vm1, $0x1, v0;
	vm1 =	vgt.f32 v15, v3  }
.Ltmp11:
0x16a: {  	v14 =	vld [tilespmem:s17+$0x220];
	v7 =	vadd.s32 v12, v7;
	v15 =	vsel vm1, $0x1, v0;
	vm1 =	vgt.f32 v13, v3;
	(pc) =	sbr.rel @p0 .LBB2_20-.Ltmp11, $4  }
0x16b: {  	v12 =	vld [tilespmem:s17+$0x230];
	v9 =	vadd.s32 v15, v9;
	v13 =	vsel vm1, $0x1, v0;
	vm1 =	vgt.f32 v16, v3  }
0x16c: {  	v15 =	vld [tilespmem:s17+$0x240];
	vm2 =	vgt.f32 v18, v3;
	v6 =	vadd.s32 v13, v6;
	v16 =	vsel vm1, $0x1, v0  }
0x16d: {  	vm1 =	vgt.f32 v19, v3;
	v13 =	vld [tilespmem:s17+$0x250];
	v18 =	vsel vm2, $0x1, v0;
	v5 =	vadd.s32 v16, v5  }
0x16e: {  	v17 =	vsel vm1, $0x1, v0;
	vm1 =	vgt.f32 v20, v3;
	v16 =	vld [tilespmem:s17+$0x260];
	s17 =	sshra.s32 s18, $0x2;
	s18 =	sadd.s32 $0x800, s18;
	v4 =	vadd.s32 v18, v4  }
0x16f: {  	v18 =	vld [tilespmem:s17+$0x270];
	v19 =	vsel vm1, $0x1, v0  }
0x170: {  	v8 =	vadd.s32 v17, v8;
	vm1 =	vgt.f32 v14, v3;
	v45 =	vld [tilespmem:s17+$0x200];
	v11 =	vadd.s32 v19, v11  }
0x171: {  	v47 =	vld [tilespmem:s17+$0x210];
	v46 =	vsel vm1, $0x1, v0;
	vm1 =	vgt.f32 v12, v3;
	vm2 =	vgt.f32 v15, v3  }
0x172: {  	v49 =	vld [tilespmem:s17+$0x220];
	v10 =	vadd.s32 v46, v10;
	v48 =	vsel vm1, $0x1, v0;
	v50 =	vsel vm2, $0x1, v0  }
0x173: {  	v51 =	vld [tilespmem:s17+$0x230];
	v7 =	vadd.s32 v48, v7;
	vm1 =	vgt.f32 v13, v3;
	v9 =	vadd.s32 v50, v9  }
0x174: {  	v53 =	vld [tilespmem:s17+$0x240];
	v52 =	vsel vm1, $0x1, v0;
	vm1 =	vgt.f32 v16, v3;
	vm2 =	vgt.f32 v18, v3  }
0x175: {  	v6 =	vadd.s32 v52, v6;
	v54 =	vsel vm1, $0x1, v0;
	vm1 =	vgt.f32 v45, v3  }
0x176: {  	v55 =	vld [tilespmem:s17+$0x250];
	v5 =	vadd.s32 v54, v5;
	v56 =	vsel vm1, $0x1, v0;
	vm1 =	vgt.f32 v47, v3  }
0x177: {  	v57 =	vld [tilespmem:s17+$0x260];
	v8 =	vadd.s32 v56, v8;
	v58 =	vsel vm1, $0x1, v0;
	vm1 =	vgt.f32 v49, v3  }
0x178: {  	v11 =	vadd.s32 v58, v11;
	v59 =	vsel vm1, $0x1, v0;
	vm1 =	vgt.f32 v51, v3  }
0x179: {  	v10 =	vadd.s32 v59, v10;
	v13 =	vsel vm1, $0x1, v0;
	vm1 =	vgt.f32 v53, v3  }
0x17a: {  	v8 =	vadd.s32 v8, v11;
	v7 =	vadd.s32 v13, v7;
	v60 =	vsel vm1, $0x1, v0  }
0x17b: {  	vm1 =	vgt.f32 v55, v3;
	v8 =	vadd.s32 v10, v8;
	v9 =	vadd.s32 v60, v9  }
0x17c: {  	v61 =	vsel vm1, $0x1, v0;
	vm1 =	vgt.f32 v57, v3;
	v7 =	vadd.s32 v7, v8  }
0x17d: {  	v6 =	vadd.s32 v61, v6;
	v62 =	vsel vm1, $0x1, v0;
	v7 =	vadd.s32 v9, v7  }
0x17e: {  	v63 =	vsel vm2, $0x1, v0;
	v5 =	vadd.s32 v62, v5;
	v6 =	vadd.s32 v6, v7  }
0x17f: {  	v4 =	vadd.s32 v63, v4;
	v5 =	vadd.s32 v5, v6  }
0x180: {  	v4 =	vadd.s32 v4, v5  }
0x181: {  	(xrf0) =	vadd.scan.msk.s32 $0xffff, v4;
	_ =	sdelay $0x5  }
0x182: {  	v4, _, _ =	vpop (xrf0)  }
0x183: {  	(v2sf) =	vpush v4, $0xF;
	_ =	sdelay $0xe  }
0x184: {  	s7 =	spop (v2sf)  }
0x185: {  	p0 =	sgt.s32 s7, $0x4  }
.Ltmp12:
0x186: {  	_ = 	snop;
	(pc) =	sbr.rel @p0 .LBB2_25-.Ltmp12, $2  }
0x187: {  	_ =	sdelay $0x2  }
0x188: {  	s16 =	sadd.f32 s16, s21  }
0x189: {  	s7 =	simm.s32 $0x1080;
	s17 =	rddreg [dreg:$0x7]  }
0x18a: {  	[tilespmem:s7], [sflag:$0x7] =	stream.strided.gather [hbm4b:s17+s23], $0x8000, s22, s23, $0x38;
	[tilespmem:$0x9300] =	vst v63  }
0x18b: {  	_ =	swait.ge [sflag:s26], $0x8000  }
0x18c: {  	[sflag:s26] =	ssyncset.done $0x0  }
0x18d: {  	[sflag:s26] =	ssyncadd.s32 $0xFFFF8000  }
0x18e: {  	v4 =	vld [tilespmem:s7+$0x0];
	_ =	sdelay $0x2  }
0x18f: {  	v5 =	vbroadcast v2, $0x0;
	s29 =	simm.s32 $0x0  }
0x190: {  	v6 =	vor.u32 s29, v1  }
0x191: {  	v2 =	vimm.s32 $0x0;
	s18 =	simm.s32 $0x1090;
	s17 =	simm.s32 $0x10;
	vm2 =	vlt.s32 v6, v5;
	vm1 =	veq.f32 v4, v3  }
.LBB2_23:
0x192: {  	p0 =	sne.s32 s17, $0x7FF0;
	vm3 =	vgt.f32 v4, v3;
	v4 =	vld [tilespmem:s18+$0x0];
	vm1 =	vmand vm2, vm1;
	s7 =	smov.u32 s17;
	s17 =	sadd.s32 $0x10, s17  }
.Ltmp13:
0x193: {  	vm1 =	vmor vm3, vm1;
	(pc) =	sbr.rel @p0 .LBB2_23-.Ltmp13, $4  }
0x194: {  	v6 =	vsel vm1, $0x1, v0  }
0x195: {  	v2 =	vadd.s32 v6, v2  }
0x196: {  	v6 =	vor.u32 s7, v1  }
0x197: {  	s18 =	sadd.s32 $0x10, s18;
	vm2 =	vlt.s32 v6, v5;
	vm1 =	veq.f32 v4, v3  }
.Ltmp14:
0x198: {  	_ = 	snop;
	(pc) =	sbr.rel .LBB2_24-.Ltmp14, $1  }
0x199: {  	_ =	sdelay $0x3  }
.LBB2_26:
0x19a: {  	_ =	sfence.sel $0x180000  }
0x19b: {  	[bflag:$0x0] =	sbarrier.arrive $0xFFFF  }
0x19c: {  	_ =	strace $0x90000047  }
0x19d: {  	s0 =	stileid.u32;
	[bflag:$0x2] =	sbarrier.arrive $0xFFFF  }
0x19e: {  	p0 =	sne.s32 s0, $0x0;
	s0 =	rddreg [dreg:$0x3]  }
0x19f: {  	s0 =	sadd.s32 @!p0 $0x100000, s0  }
0x1a0: {  	[sflag:s0] =	ssyncadd.tile.s32 @!p0 $0x1;
	_ =	shalt  }
.Lfunc_end2:
_tile_overlayer_lowered:
.L_overlay_start_2:
0x1a1: {  	(tag) =	ssettag $0x2  }
0x1a2: {  	s0 =	rddreg [dreg:$0x0];
	s2 =	stileid.u32  }
0x1a3: {  	s1 =	rddreg [dreg:$0x1];
	p0 =	sne.s32 s2, $0x0  }
0x1a4: {  	s3 =	rddreg [dreg:$0x2];
	[bflag:$0x3] =	sbarrier.arrive $0xFFFF;
	s2 =	simm.s32 @!p0 $0x1C07  }
0x1a5: {  	[timem:s3], [sflag:s2] =	dma.local @!p0 [hbm:s0], s1  }
0x1a6: {  	s0 =	simm.s32 @!p0 $0x7  }
0x1a7: {  	_ =	swait.ge @!p0 [sflag:s0], s1  }
0x1a8: {  	s1 =	ssub.s32 @!p0 $0x0, s1;
	[sflag:s0] =	ssyncset.done @!p0 $0x0  }
0x1a9: {  	[sflag:s0] =	ssyncadd.s32 @!p0 s1  }
0x1aa: {  	[bflag:$0x3] =	sbarrier.arrive $0xFFFF  }
0x1ab: {  	_ =	shalt  }

</sc_bundles>
